<compile_context>
chip_gen: v7x
topology: tpu7x:2x2x1
jax: 0.10.2.dev20260603
libtpu: 0.0.44.dev20260713+nightly
codegen_flags: <defaults>
</compile_context>

<pallas_src>
import functools

import jax
import jax.numpy as jnp
from jax import lax
from jax.experimental import pallas as pl
from jax.experimental.pallas import tpu as pltpu
from jax.experimental.pallas import tpu_sc as plsc

_FEAT = 64
_BATCH = 16384
_CLASSES = 100000
_NC, _NS, _L = 2, 16, 16
_NW = _NC * _NS
_RPW = _FEAT // _NW
_NQ = 4
_QB = _BATCH // _NQ
_UNROLL = 8


@functools.partial(
    pl.kernel,
    out_type=jax.ShapeDtypeStruct((_NW, _L), jnp.float32),
    mesh=plsc.VectorSubcoreMesh(core_axis_name="c", subcore_axis_name="s"),
    compiler_params=pltpu.CompilerParams(needs_layout_passes=False),
    scratch_types=[
        pltpu.VMEM((_CLASSES,), jnp.float32),
        pltpu.VMEM((_BATCH,), jnp.int32),
        pltpu.VMEM((_QB,), jnp.float32),
        pltpu.VMEM((_QB,), jnp.float32),
        pltpu.VMEM((_L,), jnp.float32),
        pltpu.SemaphoreType.DMA,
        pltpu.SemaphoreType.DMA,
        pltpu.SemaphoreType.DMA,
        pltpu.SemaphoreType.DMA,
    ],
)
def _center_partials(feat_hbm, lab_hbm, cent_hbm, out_hbm,
                     crow, labv, fq0, fq1, acc_v,
                     csem, fsem0, fsem1, lsem):
    wid = lax.axis_index("s") * _NC + lax.axis_index("c")
    j0 = wid * _RPW
    fqs = (fq0, fq1)
    fsems = (fsem0, fsem1)

    def issue_feat(r, q):
        return pltpu.async_copy(feat_hbm.at[j0 + r, pl.ds(q * _QB, _QB)],
                                fqs[q % 2], fsems[q % 2])

    lab_h = pltpu.async_copy(lab_hbm, labv, lsem)
    crow_h = pltpu.async_copy(cent_hbm.at[j0], crow, csem)
    pending = {(0, 0): issue_feat(0, 0), (0, 1): issue_feat(0, 1)}
    lab_h.wait()

    accs = tuple(jnp.zeros((_L,), jnp.float32) for _ in range(_UNROLL))
    for r in range(_RPW):
        crow_h.wait()
        for q in range(_NQ):
            fq = fqs[q % 2]
            pending.pop((r, q)).wait()

            def step(g, a, q=q, fq=fq):
                out = []
                for u in range(_UNROLL):
                    o = g * _L * _UNROLL + u * _L
                    idx = labv[pl.ds(q * _QB + o, _L)]
                    f = fq[pl.ds(o, _L)]
                    c = plsc.load_gather(crow, [idx])
                    d = f - c
                    out.append(a[u] + d * d)
                return tuple(out)

            accs = lax.fori_loop(0, _QB // (_L * _UNROLL), step, accs)

            if q + 2 < _NQ:
                pending[(r, q + 2)] = issue_feat(r, q + 2)
            elif r + 1 < _RPW:
                pending[(r + 1, q - 2)] = issue_feat(r + 1, q - 2)

        if r + 1 < _RPW:
            crow_h = pltpu.async_copy(cent_hbm.at[j0 + r + 1], crow, csem)

    acc_v[...] = functools.reduce(lambda x, y: x + y, accs)
    pltpu.sync_copy(acc_v, out_hbm.at[wid])


def kernel(features, labels, centers):
    lab = labels.astype(jnp.int32)
    partials = _center_partials(features.T, lab, centers.T)
    return jnp.sum(partials) / features.shape[0]

# --- scband reference (transcript-rebuilt; emitter-appended) ---
"""Pipeline reference for scband-center-loss-17884243821119 (READ-ONLY COPY).

The authoritative reference and input builder live on the scoring server;
editing this copy changes nothing except your own understanding.
"""

import jax, jax.numpy as jnp
import numpy as np

NUM_CLASSES = 100000
FEAT_DIM = 64
BATCH = 16384

def setup_inputs(seed: int = 0) -> dict:
    key = jax.random.key(seed)
    k1, k2, k3 = jax.random.split(key, 3)
    features = jax.random.normal(k1, (BATCH, FEAT_DIM), dtype=jnp.float32)
    labels = jax.random.randint(k2, (BATCH,), 0, NUM_CLASSES, dtype=jnp.int64)
    centers = jax.random.normal(k3, (NUM_CLASSES, FEAT_DIM), dtype=jnp.float32)
    return {"features": features, "labels": labels, "centers": centers}

def reference(features, labels, centers):
    batch_size = features.shape[0]
    centers_batch = jnp.take(centers, labels, axis=0)
    loss = jnp.sum((features - centers_batch) ** 2) / batch_size
    return loss

if __name__ == "__main__":
    import jax
    _d = setup_inputs()
    print(jax.jit(kernel)(*tuple(_d.values())))

</pallas_src>

<mosaic_0001>
#map = affine_map<(d0, d1) -> (0, 0)>
#map1 = affine_map<(d0, d1) -> (0)>
module attributes {stable_mosaic.version = 14 : i64} {
  func.func @_center_partials(%arg0: i32, %arg1: i32, %arg2: memref<64x16384xf32, #tpu.memory_space<hbm>>, %arg3: memref<16384xi32, #tpu.memory_space<hbm>>, %arg4: memref<64x100000xf32, #tpu.memory_space<hbm>>, %arg5: memref<32x16xf32, #tpu.memory_space<hbm>>, %arg6: memref<100000xf32, #tpu.memory_space<vmem>>, %arg7: memref<16384xi32, #tpu.memory_space<vmem>>, %arg8: memref<4096xf32, #tpu.memory_space<vmem>>, %arg9: memref<4096xf32, #tpu.memory_space<vmem>>, %arg10: memref<16xf32, #tpu.memory_space<vmem>>, %arg11: memref<!tpu.dma_semaphore, #tpu.memory_space<semaphore_mem>>, %arg12: memref<!tpu.dma_semaphore, #tpu.memory_space<semaphore_mem>>, %arg13: memref<!tpu.dma_semaphore, #tpu.memory_space<semaphore_mem>>, %arg14: memref<!tpu.dma_semaphore, #tpu.memory_space<semaphore_mem>>) attributes {dimension_semantics = [#tpu.dimension_semantics<core_parallel>, #tpu.dimension_semantics<subcore_parallel>], iteration_bounds = array<i64: 2, 16>, scalar_prefetch = 0 : i64, scratch_operands = 9 : i64, tpu.core_type = #tpu.core_type<sc_vector_subcore>, window_params = [{transform_indices = #map}, {transform_indices = #map1}, {transform_indices = #map}, {transform_indices = #map}]} {
    %mul3A = arith.constant 2 : i32
    %mul3A_0 = arith.muli %arg1, %mul3A : i32
    %add3A = arith.addi %mul3A_0, %arg0 : i32
    %mul3A_1 = arith.constant 2 : i32
    %mul3A_2 = arith.muli %add3A, %mul3A_1 : i32
    tpu.enqueue_dma source(%arg3 : memref<16384xi32, #tpu.memory_space<hbm>>) target(%arg7 : memref<16384xi32, #tpu.memory_space<vmem>>) target_semaphore(%arg14 : memref<!tpu.dma_semaphore, #tpu.memory_space<semaphore_mem>>)
    %dma_start3A = arith.constant 0 : i32
    %dma_start3A_3 = tpu.memref_slice %arg4[%mul3A_2, %dma_start3A] : memref<64x100000xf32, #tpu.memory_space<hbm>> -> memref<1x100000xf32, #tpu.memory_space<hbm>>
    %dma_start3A_4 = tpu.memref_squeeze %dma_start3A_3 : memref<1x100000xf32, #tpu.memory_space<hbm>> -> memref<100000xf32, #tpu.memory_space<hbm>>
    %dma_start3A_5 = arith.constant 0 : i32
    %dma_start3A_6 = tpu.memref_slice %arg4[%mul3A_2, %dma_start3A_5] : memref<64x100000xf32, #tpu.memory_space<hbm>> -> memref<1x100000xf32, #tpu.memory_space<hbm>>
    %dma_start3A_7 = tpu.memref_squeeze %dma_start3A_6 : memref<1x100000xf32, #tpu.memory_space<hbm>> -> memref<100000xf32, #tpu.memory_space<hbm>>
    tpu.enqueue_dma source(%dma_start3A_7 : memref<100000xf32, #tpu.memory_space<hbm>>) target(%arg6 : memref<100000xf32, #tpu.memory_space<vmem>>) target_semaphore(%arg11 : memref<!tpu.dma_semaphore, #tpu.memory_space<semaphore_mem>>)
    %add3A_8 = arith.constant 0 : i32
    %add3A_9 = arith.addi %mul3A_2, %add3A_8 : i32
    %dma_start3A_10 = arith.constant 0 : i32
    %dma_start3A_11 = tpu.memref_slice %arg2[%add3A_9, %dma_start3A_10] : memref<64x16384xf32, #tpu.memory_space<hbm>> -> memref<1x4096xf32, #tpu.memory_space<hbm>>
    %dma_start3A_12 = tpu.memref_squeeze %dma_start3A_11 : memref<1x4096xf32, #tpu.memory_space<hbm>> -> memref<4096xf32, #tpu.memory_space<hbm>>
    %dma_start3A_13 = arith.constant 0 : i32
    %dma_start3A_14 = tpu.memref_slice %arg2[%add3A_9, %dma_start3A_13] : memref<64x16384xf32, #tpu.memory_space<hbm>> -> memref<1x4096xf32, #tpu.memory_space<hbm>>
    %dma_start3A_15 = tpu.memref_squeeze %dma_start3A_14 : memref<1x4096xf32, #tpu.memory_space<hbm>> -> memref<4096xf32, #tpu.memory_space<hbm>>
    tpu.enqueue_dma source(%dma_start3A_15 : memref<4096xf32, #tpu.memory_space<hbm>>) target(%arg8 : memref<4096xf32, #tpu.memory_space<vmem>>) target_semaphore(%arg12 : memref<!tpu.dma_semaphore, #tpu.memory_space<semaphore_mem>>)
    %add3A_16 = arith.constant 0 : i32
    %add3A_17 = arith.addi %mul3A_2, %add3A_16 : i32
    %dma_start3A_18 = arith.constant 4096 : i32
    %dma_start3A_19 = tpu.memref_slice %arg2[%add3A_17, %dma_start3A_18] : memref<64x16384xf32, #tpu.memory_space<hbm>> -> memref<1x4096xf32, #tpu.memory_space<hbm>>
    %dma_start3A_20 = tpu.memref_squeeze %dma_start3A_19 : memref<1x4096xf32, #tpu.memory_space<hbm>> -> memref<4096xf32, #tpu.memory_space<hbm>>
    %dma_start3A_21 = arith.constant 4096 : i32
    %dma_start3A_22 = tpu.memref_slice %arg2[%add3A_17, %dma_start3A_21] : memref<64x16384xf32, #tpu.memory_space<hbm>> -> memref<1x4096xf32, #tpu.memory_space<hbm>>
    %dma_start3A_23 = tpu.memref_squeeze %dma_start3A_22 : memref<1x4096xf32, #tpu.memory_space<hbm>> -> memref<4096xf32, #tpu.memory_space<hbm>>
    tpu.enqueue_dma source(%dma_start3A_23 : memref<4096xf32, #tpu.memory_space<hbm>>) target(%arg9 : memref<4096xf32, #tpu.memory_space<vmem>>) target_semaphore(%arg13 : memref<!tpu.dma_semaphore, #tpu.memory_space<semaphore_mem>>)
    tpu.wait_dma2 semaphore(%arg14 : memref<!tpu.dma_semaphore, #tpu.memory_space<semaphore_mem>>) src(%arg3 : memref<16384xi32, #tpu.memory_space<hbm>>) dst(%arg7 : memref<16384xi32, #tpu.memory_space<vmem>>)
    %broadcast_in_dim3A = arith.constant 0.000000e+00 : f32
    %broadcast_in_dim3A_24 = vector.broadcast %broadcast_in_dim3A : f32 to vector<16xf32>
    %broadcast_in_dim3A_25 = arith.constant 0.000000e+00 : f32
    %broadcast_in_dim3A_26 = vector.broadcast %broadcast_in_dim3A_25 : f32 to vector<16xf32>
    %broadcast_in_dim3A_27 = arith.constant 0.000000e+00 : f32
    %broadcast_in_dim3A_28 = vector.broadcast %broadcast_in_dim3A_27 : f32 to vector<16xf32>
    %broadcast_in_dim3A_29 = arith.constant 0.000000e+00 : f32
    %broadcast_in_dim3A_30 = vector.broadcast %broadcast_in_dim3A_29 : f32 to vector<16xf32>
    %broadcast_in_dim3A_31 = arith.constant 0.000000e+00 : f32
    %broadcast_in_dim3A_32 = vector.broadcast %broadcast_in_dim3A_31 : f32 to vector<16xf32>
    %broadcast_in_dim3A_33 = arith.constant 0.000000e+00 : f32
    %broadcast_in_dim3A_34 = vector.broadcast %broadcast_in_dim3A_33 : f32 to vector<16xf32>
    %broadcast_in_dim3A_35 = arith.constant 0.000000e+00 : f32
    %broadcast_in_dim3A_36 = vector.broadcast %broadcast_in_dim3A_35 : f32 to vector<16xf32>
    %broadcast_in_dim3A_37 = arith.constant 0.000000e+00 : f32
    %broadcast_in_dim3A_38 = vector.broadcast %broadcast_in_dim3A_37 : f32 to vector<16xf32>
    %dma_wait3A = arith.constant 0 : i32
    %dma_wait3A_39 = tpu.memref_slice %arg4[%mul3A_2, %dma_wait3A] : memref<64x100000xf32, #tpu.memory_space<hbm>> -> memref<1x100000xf32, #tpu.memory_space<hbm>>
    %dma_wait3A_40 = tpu.memref_squeeze %dma_wait3A_39 : memref<1x100000xf32, #tpu.memory_space<hbm>> -> memref<100000xf32, #tpu.memory_space<hbm>>
    %dma_wait3A_41 = arith.constant 0 : i32
    %dma_wait3A_42 = tpu.memref_slice %arg4[%mul3A_2, %dma_wait3A_41] : memref<64x100000xf32, #tpu.memory_space<hbm>> -> memref<1x100000xf32, #tpu.memory_space<hbm>>
    %dma_wait3A_43 = tpu.memref_squeeze %dma_wait3A_42 : memref<1x100000xf32, #tpu.memory_space<hbm>> -> memref<100000xf32, #tpu.memory_space<hbm>>
    tpu.wait_dma2 semaphore(%arg11 : memref<!tpu.dma_semaphore, #tpu.memory_space<semaphore_mem>>) src(%dma_wait3A_43 : memref<100000xf32, #tpu.memory_space<hbm>>) dst(%arg6 : memref<100000xf32, #tpu.memory_space<vmem>>)
    %dma_wait3A_44 = arith.constant 0 : i32
    %dma_wait3A_45 = tpu.memref_slice %arg2[%add3A_9, %dma_wait3A_44] : memref<64x16384xf32, #tpu.memory_space<hbm>> -> memref<1x4096xf32, #tpu.memory_space<hbm>>
    %dma_wait3A_46 = tpu.memref_squeeze %dma_wait3A_45 : memref<1x4096xf32, #tpu.memory_space<hbm>> -> memref<4096xf32, #tpu.memory_space<hbm>>
    %dma_wait3A_47 = arith.constant 0 : i32
    %dma_wait3A_48 = tpu.memref_slice %arg2[%add3A_9, %dma_wait3A_47] : memref<64x16384xf32, #tpu.memory_space<hbm>> -> memref<1x4096xf32, #tpu.memory_space<hbm>>
    %dma_wait3A_49 = tpu.memref_squeeze %dma_wait3A_48 : memref<1x4096xf32, #tpu.memory_space<hbm>> -> memref<4096xf32, #tpu.memory_space<hbm>>
    tpu.wait_dma2 semaphore(%arg12 : memref<!tpu.dma_semaphore, #tpu.memory_space<semaphore_mem>>) src(%dma_wait3A_49 : memref<4096xf32, #tpu.memory_space<hbm>>) dst(%arg8 : memref<4096xf32, #tpu.memory_space<vmem>>)
    %scan3A = arith.constant 0 : i32
    %scan3A_50 = arith.constant 32 : i32
    %scan3A_51 = arith.addi %scan3A, %scan3A_50 : i32
    %scan3A_52 = arith.constant 1 : i32
    %scan3A_53:8 = scf.for %scan3A_211 = %scan3A to %scan3A_51 step %scan3A_52 iter_args(%scan3A_212 = %broadcast_in_dim3A_24, %scan3A_213 = %broadcast_in_dim3A_26, %scan3A_214 = %broadcast_in_dim3A_28, %scan3A_215 = %broadcast_in_dim3A_30, %scan3A_216 = %broadcast_in_dim3A_32, %scan3A_217 = %broadcast_in_dim3A_34, %scan3A_218 = %broadcast_in_dim3A_36, %scan3A_219 = %broadcast_in_dim3A_38) -> (vector<16xf32>, vector<16xf32>, vector<16xf32>, vector<16xf32>, vector<16xf32>, vector<16xf32>, vector<16xf32>, vector<16xf32>)  : i32 {
      %mul3A_220 = arith.constant 16 : i32
      %mul3A_221 = arith.muli %scan3A_211, %mul3A_220 : i32
      %mul3A_222 = arith.constant 8 : i32
      %mul3A_223 = arith.muli %mul3A_221, %mul3A_222 : i32
      %add3A_224 = arith.constant 0 : i32
      %add3A_225 = arith.addi %mul3A_223, %add3A_224 : i32
      %add3A_226 = arith.constant 0 : i32
      %add3A_227 = arith.addi %add3A_226, %add3A_225 : i32
      %get3A = arith.index_cast %add3A_227 : i32 to index
      %get3A_228 = tpu.vector_load %arg7[%get3A] {strides = array<i32>} : memref<16384xi32, #tpu.memory_space<vmem>>, vector<16xi32>,
      %get3A_229 = arith.index_cast %add3A_225 : i32 to index
      %get3A_230 = tpu.vector_load %arg8[%get3A_229] {strides = array<i32>} : memref<4096xf32, #tpu.memory_space<vmem>>, vector<16xf32>,
      %gather3A = tpu.vector_load_idx %arg6[%get3A_228] : memref<100000xf32, #tpu.memory_space<vmem>>[vector<16xi32>], vector<16xf32>,
      %sub3A = arith.subf %get3A_230, %gather3A : vector<16xf32>
      %mul3A_231 = arith.mulf %sub3A, %sub3A : vector<16xf32>
      %add3A_232 = arith.addf %scan3A_212, %mul3A_231 : vector<16xf32>
      %mul3A_233 = arith.constant 16 : i32
      %mul3A_234 = arith.muli %scan3A_211, %mul3A_233 : i32
      %mul3A_235 = arith.constant 8 : i32
      %mul3A_236 = arith.muli %mul3A_234, %mul3A_235 : i32
      %add3A_237 = arith.constant 16 : i32
      %add3A_238 = arith.addi %mul3A_236, %add3A_237 : i32
      %add3A_239 = arith.constant 0 : i32
      %add3A_240 = arith.addi %add3A_239, %add3A_238 : i32
      %get3A_241 = arith.index_cast %add3A_240 : i32 to index
      %get3A_242 = tpu.vector_load %arg7[%get3A_241] {strides = array<i32>} : memref<16384xi32, #tpu.memory_space<vmem>>, vector<16xi32>,
      %get3A_243 = arith.index_cast %add3A_238 : i32 to index
      %get3A_244 = tpu.vector_load %arg8[%get3A_243] {strides = array<i32>} : memref<4096xf32, #tpu.memory_space<vmem>>, vector<16xf32>,
      %gather3A_245 = tpu.vector_load_idx %arg6[%get3A_242] : memref<100000xf32, #tpu.memory_space<vmem>>[vector<16xi32>], vector<16xf32>,
      %sub3A_246 = arith.subf %get3A_244, %gather3A_245 : vector<16xf32>
      %mul3A_247 = arith.mulf %sub3A_246, %sub3A_246 : vector<16xf32>
      %add3A_248 = arith.addf %scan3A_213, %mul3A_247 : vector<16xf32>
      %mul3A_249 = arith.constant 16 : i32
      %mul3A_250 = arith.muli %scan3A_211, %mul3A_249 : i32
      %mul3A_251 = arith.constant 8 : i32
      %mul3A_252 = arith.muli %mul3A_250, %mul3A_251 : i32
      %add3A_253 = arith.constant 32 : i32
      %add3A_254 = arith.addi %mul3A_252, %add3A_253 : i32
      %add3A_255 = arith.constant 0 : i32
      %add3A_256 = arith.addi %add3A_255, %add3A_254 : i32
      %get3A_257 = arith.index_cast %add3A_256 : i32 to index
      %get3A_258 = tpu.vector_load %arg7[%get3A_257] {strides = array<i32>} : memref<16384xi32, #tpu.memory_space<vmem>>, vector<16xi32>,
      %get3A_259 = arith.index_cast %add3A_254 : i32 to index
      %get3A_260 = tpu.vector_load %arg8[%get3A_259] {strides = array<i32>} : memref<4096xf32, #tpu.memory_space<vmem>>, vector<16xf32>,
      %gather3A_261 = tpu.vector_load_idx %arg6[%get3A_258] : memref<100000xf32, #tpu.memory_space<vmem>>[vector<16xi32>], vector<16xf32>,
      %sub3A_262 = arith.subf %get3A_260, %gather3A_261 : vector<16xf32>
      %mul3A_263 = arith.mulf %sub3A_262, %sub3A_262 : vector<16xf32>
      %add3A_264 = arith.addf %scan3A_214, %mul3A_263 : vector<16xf32>
      %mul3A_265 = arith.constant 16 : i32
      %mul3A_266 = arith.muli %scan3A_211, %mul3A_265 : i32
      %mul3A_267 = arith.constant 8 : i32
      %mul3A_268 = arith.muli %mul3A_266, %mul3A_267 : i32
      %add3A_269 = arith.constant 48 : i32
      %add3A_270 = arith.addi %mul3A_268, %add3A_269 : i32
      %add3A_271 = arith.constant 0 : i32
      %add3A_272 = arith.addi %add3A_271, %add3A_270 : i32
      %get3A_273 = arith.index_cast %add3A_272 : i32 to index
      %get3A_274 = tpu.vector_load %arg7[%get3A_273] {strides = array<i32>} : memref<16384xi32, #tpu.memory_space<vmem>>, vector<16xi32>,
      %get3A_275 = arith.index_cast %add3A_270 : i32 to index
      %get3A_276 = tpu.vector_load %arg8[%get3A_275] {strides = array<i32>} : memref<4096xf32, #tpu.memory_space<vmem>>, vector<16xf32>,
      %gather3A_277 = tpu.vector_load_idx %arg6[%get3A_274] : memref<100000xf32, #tpu.memory_space<vmem>>[vector<16xi32>], vector<16xf32>,
      %sub3A_278 = arith.subf %get3A_276, %gather3A_277 : vector<16xf32>
      %mul3A_279 = arith.mulf %sub3A_278, %sub3A_278 : vector<16xf32>
      %add3A_280 = arith.addf %scan3A_215, %mul3A_279 : vector<16xf32>
      %mul3A_281 = arith.constant 16 : i32
      %mul3A_282 = arith.muli %scan3A_211, %mul3A_281 : i32
      %mul3A_283 = arith.constant 8 : i32
      %mul3A_284 = arith.muli %mul3A_282, %mul3A_283 : i32
      %add3A_285 = arith.constant 64 : i32
      %add3A_286 = arith.addi %mul3A_284, %add3A_285 : i32
      %add3A_287 = arith.constant 0 : i32
      %add3A_288 = arith.addi %add3A_287, %add3A_286 : i32
      %get3A_289 = arith.index_cast %add3A_288 : i32 to index
      %get3A_290 = tpu.vector_load %arg7[%get3A_289] {strides = array<i32>} : memref<16384xi32, #tpu.memory_space<vmem>>, vector<16xi32>,
      %get3A_291 = arith.index_cast %add3A_286 : i32 to index
      %get3A_292 = tpu.vector_load %arg8[%get3A_291] {strides = array<i32>} : memref<4096xf32, #tpu.memory_space<vmem>>, vector<16xf32>,
      %gather3A_293 = tpu.vector_load_idx %arg6[%get3A_290] : memref<100000xf32, #tpu.memory_space<vmem>>[vector<16xi32>], vector<16xf32>,
      %sub3A_294 = arith.subf %get3A_292, %gather3A_293 : vector<16xf32>
      %mul3A_295 = arith.mulf %sub3A_294, %sub3A_294 : vector<16xf32>
      %add3A_296 = arith.addf %scan3A_216, %mul3A_295 : vector<16xf32>
      %mul3A_297 = arith.constant 16 : i32
      %mul3A_298 = arith.muli %scan3A_211, %mul3A_297 : i32
      %mul3A_299 = arith.constant 8 : i32
      %mul3A_300 = arith.muli %mul3A_298, %mul3A_299 : i32
      %add3A_301 = arith.constant 80 : i32
      %add3A_302 = arith.addi %mul3A_300, %add3A_301 : i32
      %add3A_303 = arith.constant 0 : i32
      %add3A_304 = arith.addi %add3A_303, %add3A_302 : i32
      %get3A_305 = arith.index_cast %add3A_304 : i32 to index
      %get3A_306 = tpu.vector_load %arg7[%get3A_305] {strides = array<i32>} : memref<16384xi32, #tpu.memory_space<vmem>>, vector<16xi32>,
      %get3A_307 = arith.index_cast %add3A_302 : i32 to index
      %get3A_308 = tpu.vector_load %arg8[%get3A_307] {strides = array<i32>} : memref<4096xf32, #tpu.memory_space<vmem>>, vector<16xf32>,
      %gather3A_309 = tpu.vector_load_idx %arg6[%get3A_306] : memref<100000xf32, #tpu.memory_space<vmem>>[vector<16xi32>], vector<16xf32>,
      %sub3A_310 = arith.subf %get3A_308, %gather3A_309 : vector<16xf32>
      %mul3A_311 = arith.mulf %sub3A_310, %sub3A_310 : vector<16xf32>
      %add3A_312 = arith.addf %scan3A_217, %mul3A_311 : vector<16xf32>
      %mul3A_313 = arith.constant 16 : i32
      %mul3A_314 = arith.muli %scan3A_211, %mul3A_313 : i32
      %mul3A_315 = arith.constant 8 : i32
      %mul3A_316 = arith.muli %mul3A_314, %mul3A_315 : i32
      %add3A_317 = arith.constant 96 : i32
      %add3A_318 = arith.addi %mul3A_316, %add3A_317 : i32
      %add3A_319 = arith.constant 0 : i32
      %add3A_320 = arith.addi %add3A_319, %add3A_318 : i32
      %get3A_321 = arith.index_cast %add3A_320 : i32 to index
      %get3A_322 = tpu.vector_load %arg7[%get3A_321] {strides = array<i32>} : memref<16384xi32, #tpu.memory_space<vmem>>, vector<16xi32>,
      %get3A_323 = arith.index_cast %add3A_318 : i32 to index
      %get3A_324 = tpu.vector_load %arg8[%get3A_323] {strides = array<i32>} : memref<4096xf32, #tpu.memory_space<vmem>>, vector<16xf32>,
      %gather3A_325 = tpu.vector_load_idx %arg6[%get3A_322] : memref<100000xf32, #tpu.memory_space<vmem>>[vector<16xi32>], vector<16xf32>,
      %sub3A_326 = arith.subf %get3A_324, %gather3A_325 : vector<16xf32>
      %mul3A_327 = arith.mulf %sub3A_326, %sub3A_326 : vector<16xf32>
      %add3A_328 = arith.addf %scan3A_218, %mul3A_327 : vector<16xf32>
      %mul3A_329 = arith.constant 16 : i32
      %mul3A_330 = arith.muli %scan3A_211, %mul3A_329 : i32
      %mul3A_331 = arith.constant 8 : i32
      %mul3A_332 = arith.muli %mul3A_330, %mul3A_331 : i32
      %add3A_333 = arith.constant 112 : i32
      %add3A_334 = arith.addi %mul3A_332, %add3A_333 : i32
      %add3A_335 = arith.constant 0 : i32
      %add3A_336 = arith.addi %add3A_335, %add3A_334 : i32
      %get3A_337 = arith.index_cast %add3A_336 : i32 to index
      %get3A_338 = tpu.vector_load %arg7[%get3A_337] {strides = array<i32>} : memref<16384xi32, #tpu.memory_space<vmem>>, vector<16xi32>,
      %get3A_339 = arith.index_cast %add3A_334 : i32 to index
      %get3A_340 = tpu.vector_load %arg8[%get3A_339] {strides = array<i32>} : memref<4096xf32, #tpu.memory_space<vmem>>, vector<16xf32>,
      %gather3A_341 = tpu.vector_load_idx %arg6[%get3A_338] : memref<100000xf32, #tpu.memory_space<vmem>>[vector<16xi32>], vector<16xf32>,
      %sub3A_342 = arith.subf %get3A_340, %gather3A_341 : vector<16xf32>
      %mul3A_343 = arith.mulf %sub3A_342, %sub3A_342 : vector<16xf32>
      %add3A_344 = arith.addf %scan3A_219, %mul3A_343 : vector<16xf32>
      scf.yield %add3A_232, %add3A_248, %add3A_264, %add3A_280, %add3A_296, %add3A_312, %add3A_328, %add3A_344 : vector<16xf32>, vector<16xf32>, vector<16xf32>, vector<16xf32>, vector<16xf32>, vector<16xf32>, vector<16xf32>, vector<16xf32>
    }
    %scan3A_54 = arith.constant 32 : i32
    %add3A_55 = arith.constant 0 : i32
    %add3A_56 = arith.addi %mul3A_2, %add3A_55 : i32
    %dma_start3A_57 = arith.constant 8192 : i32
    %dma_start3A_58 = tpu.memref_slice %arg2[%add3A_56, %dma_start3A_57] : memref<64x16384xf32, #tpu.memory_space<hbm>> -> memref<1x4096xf32, #tpu.memory_space<hbm>>
    %dma_start3A_59 = tpu.memref_squeeze %dma_start3A_58 : memref<1x4096xf32, #tpu.memory_space<hbm>> -> memref<4096xf32, #tpu.memory_space<hbm>>
    %dma_start3A_60 = arith.constant 8192 : i32
    %dma_start3A_61 = tpu.memref_slice %arg2[%add3A_56, %dma_start3A_60] : memref<64x16384xf32, #tpu.memory_space<hbm>> -> memref<1x4096xf32, #tpu.memory_space<hbm>>
    %dma_start3A_62 = tpu.memref_squeeze %dma_start3A_61 : memref<1x4096xf32, #tpu.memory_space<hbm>> -> memref<4096xf32, #tpu.memory_space<hbm>>
    tpu.enqueue_dma source(%dma_start3A_62 : memref<4096xf32, #tpu.memory_space<hbm>>) target(%arg8 : memref<4096xf32, #tpu.memory_space<vmem>>) target_semaphore(%arg12 : memref<!tpu.dma_semaphore, #tpu.memory_space<semaphore_mem>>)
    %dma_wait3A_63 = arith.constant 4096 : i32
    %dma_wait3A_64 = tpu.memref_slice %arg2[%add3A_17, %dma_wait3A_63] : memref<64x16384xf32, #tpu.memory_space<hbm>> -> memref<1x4096xf32, #tpu.memory_space<hbm>>
    %dma_wait3A_65 = tpu.memref_squeeze %dma_wait3A_64 : memref<1x4096xf32, #tpu.memory_space<hbm>> -> memref<4096xf32, #tpu.memory_space<hbm>>
    %dma_wait3A_66 = arith.constant 4096 : i32
    %dma_wait3A_67 = tpu.memref_slice %arg2[%add3A_17, %dma_wait3A_66] : memref<64x16384xf32, #tpu.memory_space<hbm>> -> memref<1x4096xf32, #tpu.memory_space<hbm>>
    %dma_wait3A_68 = tpu.memref_squeeze %dma_wait3A_67 : memref<1x4096xf32, #tpu.memory_space<hbm>> -> memref<4096xf32, #tpu.memory_space<hbm>>
    tpu.wait_dma2 semaphore(%arg13 : memref<!tpu.dma_semaphore, #tpu.memory_space<semaphore_mem>>) src(%dma_wait3A_68 : memref<4096xf32, #tpu.memory_space<hbm>>) dst(%arg9 : memref<4096xf32, #tpu.memory_space<vmem>>)
    %scan3A_69 = arith.constant 0 : i32
    %scan3A_70 = arith.constant 32 : i32
    %scan3A_71 = arith.addi %scan3A_69, %scan3A_70 : i32
    %scan3A_72 = arith.constant 1 : i32
    %scan3A_73:8 = scf.for %scan3A_211 = %scan3A_69 to %scan3A_71 step %scan3A_72 iter_args(%scan3A_212 = %scan3A_53#0, %scan3A_213 = %scan3A_53#1, %scan3A_214 = %scan3A_53#2, %scan3A_215 = %scan3A_53#3, %scan3A_216 = %scan3A_53#4, %scan3A_217 = %scan3A_53#5, %scan3A_218 = %scan3A_53#6, %scan3A_219 = %scan3A_53#7) -> (vector<16xf32>, vector<16xf32>, vector<16xf32>, vector<16xf32>, vector<16xf32>, vector<16xf32>, vector<16xf32>, vector<16xf32>)  : i32 {
      %mul3A_220 = arith.constant 16 : i32
      %mul3A_221 = arith.muli %scan3A_211, %mul3A_220 : i32
      %mul3A_222 = arith.constant 8 : i32
      %mul3A_223 = arith.muli %mul3A_221, %mul3A_222 : i32
      %add3A_224 = arith.constant 0 : i32
      %add3A_225 = arith.addi %mul3A_223, %add3A_224 : i32
      %add3A_226 = arith.constant 4096 : i32
      %add3A_227 = arith.addi %add3A_226, %add3A_225 : i32
      %get3A = arith.index_cast %add3A_227 : i32 to index
      %get3A_228 = tpu.vector_load %arg7[%get3A] {strides = array<i32>} : memref<16384xi32, #tpu.memory_space<vmem>>, vector<16xi32>,
      %get3A_229 = arith.index_cast %add3A_225 : i32 to index
      %get3A_230 = tpu.vector_load %arg9[%get3A_229] {strides = array<i32>} : memref<4096xf32, #tpu.memory_space<vmem>>, vector<16xf32>,
      %gather3A = tpu.vector_load_idx %arg6[%get3A_228] : memref<100000xf32, #tpu.memory_space<vmem>>[vector<16xi32>], vector<16xf32>,
      %sub3A = arith.subf %get3A_230, %gather3A : vector<16xf32>
      %mul3A_231 = arith.mulf %sub3A, %sub3A : vector<16xf32>
      %add3A_232 = arith.addf %scan3A_212, %mul3A_231 : vector<16xf32>
      %mul3A_233 = arith.constant 16 : i32
      %mul3A_234 = arith.muli %scan3A_211, %mul3A_233 : i32
      %mul3A_235 = arith.constant 8 : i32
      %mul3A_236 = arith.muli %mul3A_234, %mul3A_235 : i32
      %add3A_237 = arith.constant 16 : i32
      %add3A_238 = arith.addi %mul3A_236, %add3A_237 : i32
      %add3A_239 = arith.constant 4096 : i32
      %add3A_240 = arith.addi %add3A_239, %add3A_238 : i32
      %get3A_241 = arith.index_cast %add3A_240 : i32 to index
      %get3A_242 = tpu.vector_load %arg7[%get3A_241] {strides = array<i32>} : memref<16384xi32, #tpu.memory_space<vmem>>, vector<16xi32>,
      %get3A_243 = arith.index_cast %add3A_238 : i32 to index
      %get3A_244 = tpu.vector_load %arg9[%get3A_243] {strides = array<i32>} : memref<4096xf32, #tpu.memory_space<vmem>>, vector<16xf32>,
      %gather3A_245 = tpu.vector_load_idx %arg6[%get3A_242] : memref<100000xf32, #tpu.memory_space<vmem>>[vector<16xi32>], vector<16xf32>,
      %sub3A_246 = arith.subf %get3A_244, %gather3A_245 : vector<16xf32>
      %mul3A_247 = arith.mulf %sub3A_246, %sub3A_246 : vector<16xf32>
      %add3A_248 = arith.addf %scan3A_213, %mul3A_247 : vector<16xf32>
      %mul3A_249 = arith.constant 16 : i32
      %mul3A_250 = arith.muli %scan3A_211, %mul3A_249 : i32
      %mul3A_251 = arith.constant 8 : i32
      %mul3A_252 = arith.muli %mul3A_250, %mul3A_251 : i32
      %add3A_253 = arith.constant 32 : i32
      %add3A_254 = arith.addi %mul3A_252, %add3A_253 : i32
      %add3A_255 = arith.constant 4096 : i32
      %add3A_256 = arith.addi %add3A_255, %add3A_254 : i32
      %get3A_257 = arith.index_cast %add3A_256 : i32 to index
      %get3A_258 = tpu.vector_load %arg7[%get3A_257] {strides = array<i32>} : memref<16384xi32, #tpu.memory_space<vmem>>, vector<16xi32>,
      %get3A_259 = arith.index_cast %add3A_254 : i32 to index
      %get3A_260 = tpu.vector_load %arg9[%get3A_259] {strides = array<i32>} : memref<4096xf32, #tpu.memory_space<vmem>>, vector<16xf32>,
      %gather3A_261 = tpu.vector_load_idx %arg6[%get3A_258] : memref<100000xf32, #tpu.memory_space<vmem>>[vector<16xi32>], vector<16xf32>,
      %sub3A_262 = arith.subf %get3A_260, %gather3A_261 : vector<16xf32>
      %mul3A_263 = arith.mulf %sub3A_262, %sub3A_262 : vector<16xf32>
      %add3A_264 = arith.addf %scan3A_214, %mul3A_263 : vector<16xf32>
      %mul3A_265 = arith.constant 16 : i32
      %mul3A_266 = arith.muli %scan3A_211, %mul3A_265 : i32
      %mul3A_267 = arith.constant 8 : i32
      %mul3A_268 = arith.muli %mul3A_266, %mul3A_267 : i32
      %add3A_269 = arith.constant 48 : i32
      %add3A_270 = arith.addi %mul3A_268, %add3A_269 : i32
      %add3A_271 = arith.constant 4096 : i32
      %add3A_272 = arith.addi %add3A_271, %add3A_270 : i32
      %get3A_273 = arith.index_cast %add3A_272 : i32 to index
      %get3A_274 = tpu.vector_load %arg7[%get3A_273] {strides = array<i32>} : memref<16384xi32, #tpu.memory_space<vmem>>, vector<16xi32>,
      %get3A_275 = arith.index_cast %add3A_270 : i32 to index
      %get3A_276 = tpu.vector_load %arg9[%get3A_275] {strides = array<i32>} : memref<4096xf32, #tpu.memory_space<vmem>>, vector<16xf32>,
      %gather3A_277 = tpu.vector_load_idx %arg6[%get3A_274] : memref<100000xf32, #tpu.memory_space<vmem>>[vector<16xi32>], vector<16xf32>,
      %sub3A_278 = arith.subf %get3A_276, %gather3A_277 : vector<16xf32>
      %mul3A_279 = arith.mulf %sub3A_278, %sub3A_278 : vector<16xf32>
      %add3A_280 = arith.addf %scan3A_215, %mul3A_279 : vector<16xf32>
      %mul3A_281 = arith.constant 16 : i32
      %mul3A_282 = arith.muli %scan3A_211, %mul3A_281 : i32
      %mul3A_283 = arith.constant 8 : i32
      %mul3A_284 = arith.muli %mul3A_282, %mul3A_283 : i32
      %add3A_285 = arith.constant 64 : i32
      %add3A_286 = arith.addi %mul3A_284, %add3A_285 : i32
      %add3A_287 = arith.constant 4096 : i32
      %add3A_288 = arith.addi %add3A_287, %add3A_286 : i32
      %get3A_289 = arith.index_cast %add3A_288 : i32 to index
      %get3A_290 = tpu.vector_load %arg7[%get3A_289] {strides = array<i32>} : memref<16384xi32, #tpu.memory_space<vmem>>, vector<16xi32>,
      %get3A_291 = arith.index_cast %add3A_286 : i32 to index
      %get3A_292 = tpu.vector_load %arg9[%get3A_291] {strides = array<i32>} : memref<4096xf32, #tpu.memory_space<vmem>>, vector<16xf32>,
      %gather3A_293 = tpu.vector_load_idx %arg6[%get3A_290] : memref<100000xf32, #tpu.memory_space<vmem>>[vector<16xi32>], vector<16xf32>,
      %sub3A_294 = arith.subf %get3A_292, %gather3A_293 : vector<16xf32>
      %mul3A_295 = arith.mulf %sub3A_294, %sub3A_294 : vector<16xf32>
      %add3A_296 = arith.addf %scan3A_216, %mul3A_295 : vector<16xf32>
      %mul3A_297 = arith.constant 16 : i32
      %mul3A_298 = arith.muli %scan3A_211, %mul3A_297 : i32
      %mul3A_299 = arith.constant 8 : i32
      %mul3A_300 = arith.muli %mul3A_298, %mul3A_299 : i32
      %add3A_301 = arith.constant 80 : i32
      %add3A_302 = arith.addi %mul3A_300, %add3A_301 : i32
      %add3A_303 = arith.constant 4096 : i32
      %add3A_304 = arith.addi %add3A_303, %add3A_302 : i32
      %get3A_305 = arith.index_cast %add3A_304 : i32 to index
      %get3A_306 = tpu.vector_load %arg7[%get3A_305] {strides = array<i32>} : memref<16384xi32, #tpu.memory_space<vmem>>, vector<16xi32>,
      %get3A_307 = arith.index_cast %add3A_302 : i32 to index
      %get3A_308 = tpu.vector_load %arg9[%get3A_307] {strides = array<i32>} : memref<4096xf32, #tpu.memory_space<vmem>>, vector<16xf32>,
      %gather3A_309 = tpu.vector_load_idx %arg6[%get3A_306] : memref<100000xf32, #tpu.memory_space<vmem>>[vector<16xi32>], vector<16xf32>,
      %sub3A_310 = arith.subf %get3A_308, %gather3A_309 : vector<16xf32>
      %mul3A_311 = arith.mulf %sub3A_310, %sub3A_310 : vector<16xf32>
      %add3A_312 = arith.addf %scan3A_217, %mul3A_311 : vector<16xf32>
      %mul3A_313 = arith.constant 16 : i32
      %mul3A_314 = arith.muli %scan3A_211, %mul3A_313 : i32
      %mul3A_315 = arith.constant 8 : i32
      %mul3A_316 = arith.muli %mul3A_314, %mul3A_315 : i32
      %add3A_317 = arith.constant 96 : i32
      %add3A_318 = arith.addi %mul3A_316, %add3A_317 : i32
      %add3A_319 = arith.constant 4096 : i32
      %add3A_320 = arith.addi %add3A_319, %add3A_318 : i32
      %get3A_321 = arith.index_cast %add3A_320 : i32 to index
      %get3A_322 = tpu.vector_load %arg7[%get3A_321] {strides = array<i32>} : memref<16384xi32, #tpu.memory_space<vmem>>, vector<16xi32>,
      %get3A_323 = arith.index_cast %add3A_318 : i32 to index
      %get3A_324 = tpu.vector_load %arg9[%get3A_323] {strides = array<i32>} : memref<4096xf32, #tpu.memory_space<vmem>>, vector<16xf32>,
      %gather3A_325 = tpu.vector_load_idx %arg6[%get3A_322] : memref<100000xf32, #tpu.memory_space<vmem>>[vector<16xi32>], vector<16xf32>,
      %sub3A_326 = arith.subf %get3A_324, %gather3A_325 : vector<16xf32>
      %mul3A_327 = arith.mulf %sub3A_326, %sub3A_326 : vector<16xf32>
      %add3A_328 = arith.addf %scan3A_218, %mul3A_327 : vector<16xf32>
      %mul3A_329 = arith.constant 16 : i32
      %mul3A_330 = arith.muli %scan3A_211, %mul3A_329 : i32
      %mul3A_331 = arith.constant 8 : i32
      %mul3A_332 = arith.muli %mul3A_330, %mul3A_331 : i32
      %add3A_333 = arith.constant 112 : i32
      %add3A_334 = arith.addi %mul3A_332, %add3A_333 : i32
      %add3A_335 = arith.constant 4096 : i32
      %add3A_336 = arith.addi %add3A_335, %add3A_334 : i32
      %get3A_337 = arith.index_cast %add3A_336 : i32 to index
      %get3A_338 = tpu.vector_load %arg7[%get3A_337] {strides = array<i32>} : memref<16384xi32, #tpu.memory_space<vmem>>, vector<16xi32>,
      %get3A_339 = arith.index_cast %add3A_334 : i32 to index
      %get3A_340 = tpu.vector_load %arg9[%get3A_339] {strides = array<i32>} : memref<4096xf32, #tpu.memory_space<vmem>>, vector<16xf32>,
      %gather3A_341 = tpu.vector_load_idx %arg6[%get3A_338] : memref<100000xf32, #tpu.memory_space<vmem>>[vector<16xi32>], vector<16xf32>,
      %sub3A_342 = arith.subf %get3A_340, %gather3A_341 : vector<16xf32>
      %mul3A_343 = arith.mulf %sub3A_342, %sub3A_342 : vector<16xf32>
      %add3A_344 = arith.addf %scan3A_219, %mul3A_343 : vector<16xf32>
      scf.yield %add3A_232, %add3A_248, %add3A_264, %add3A_280, %add3A_296, %add3A_312, %add3A_328, %add3A_344 : vector<16xf32>, vector<16xf32>, vector<16xf32>, vector<16xf32>, vector<16xf32>, vector<16xf32>, vector<16xf32>, vector<16xf32>
    }
    %scan3A_74 = arith.constant 32 : i32
    %add3A_75 = arith.constant 0 : i32
    %add3A_76 = arith.addi %mul3A_2, %add3A_75 : i32
    %dma_start3A_77 = arith.constant 12288 : i32
    %dma_start3A_78 = tpu.memref_slice %arg2[%add3A_76, %dma_start3A_77] : memref<64x16384xf32, #tpu.memory_space<hbm>> -> memref<1x4096xf32, #tpu.memory_space<hbm>>
    %dma_start3A_79 = tpu.memref_squeeze %dma_start3A_78 : memref<1x4096xf32, #tpu.memory_space<hbm>> -> memref<4096xf32, #tpu.memory_space<hbm>>
    %dma_start3A_80 = arith.constant 12288 : i32
    %dma_start3A_81 = tpu.memref_slice %arg2[%add3A_76, %dma_start3A_80] : memref<64x16384xf32, #tpu.memory_space<hbm>> -> memref<1x4096xf32, #tpu.memory_space<hbm>>
    %dma_start3A_82 = tpu.memref_squeeze %dma_start3A_81 : memref<1x4096xf32, #tpu.memory_space<hbm>> -> memref<4096xf32, #tpu.memory_space<hbm>>
    tpu.enqueue_dma source(%dma_start3A_82 : memref<4096xf32, #tpu.memory_space<hbm>>) target(%arg9 : memref<4096xf32, #tpu.memory_space<vmem>>) target_semaphore(%arg13 : memref<!tpu.dma_semaphore, #tpu.memory_space<semaphore_mem>>)
    %dma_wait3A_83 = arith.constant 8192 : i32
    %dma_wait3A_84 = tpu.memref_slice %arg2[%add3A_56, %dma_wait3A_83] : memref<64x16384xf32, #tpu.memory_space<hbm>> -> memref<1x4096xf32, #tpu.memory_space<hbm>>
    %dma_wait3A_85 = tpu.memref_squeeze %dma_wait3A_84 : memref<1x4096xf32, #tpu.memory_space<hbm>> -> memref<4096xf32, #tpu.memory_space<hbm>>
    %dma_wait3A_86 = arith.constant 8192 : i32
    %dma_wait3A_87 = tpu.memref_slice %arg2[%add3A_56, %dma_wait3A_86] : memref<64x16384xf32, #tpu.memory_space<hbm>> -> memref<1x4096xf32, #tpu.memory_space<hbm>>
    %dma_wait3A_88 = tpu.memref_squeeze %dma_wait3A_87 : memref<1x4096xf32, #tpu.memory_space<hbm>> -> memref<4096xf32, #tpu.memory_space<hbm>>
    tpu.wait_dma2 semaphore(%arg12 : memref<!tpu.dma_semaphore, #tpu.memory_space<semaphore_mem>>) src(%dma_wait3A_88 : memref<4096xf32, #tpu.memory_space<hbm>>) dst(%arg8 : memref<4096xf32, #tpu.memory_space<vmem>>)
    %scan3A_89 = arith.constant 0 : i32
    %scan3A_90 = arith.constant 32 : i32
    %scan3A_91 = arith.addi %scan3A_89, %scan3A_90 : i32
    %scan3A_92 = arith.constant 1 : i32
    %scan3A_93:8 = scf.for %scan3A_211 = %scan3A_89 to %scan3A_91 step %scan3A_92 iter_args(%scan3A_212 = %scan3A_73#0, %scan3A_213 = %scan3A_73#1, %scan3A_214 = %scan3A_73#2, %scan3A_215 = %scan3A_73#3, %scan3A_216 = %scan3A_73#4, %scan3A_217 = %scan3A_73#5, %scan3A_218 = %scan3A_73#6, %scan3A_219 = %scan3A_73#7) -> (vector<16xf32>, vector<16xf32>, vector<16xf32>, vector<16xf32>, vector<16xf32>, vector<16xf32>, vector<16xf32>, vector<16xf32>)  : i32 {
      %mul3A_220 = arith.constant 16 : i32
      %mul3A_221 = arith.muli %scan3A_211, %mul3A_220 : i32
      %mul3A_222 = arith.constant 8 : i32
      %mul3A_223 = arith.muli %mul3A_221, %mul3A_222 : i32
      %add3A_224 = arith.constant 0 : i32
      %add3A_225 = arith.addi %mul3A_223, %add3A_224 : i32
      %add3A_226 = arith.constant 8192 : i32
      %add3A_227 = arith.addi %add3A_226, %add3A_225 : i32
      %get3A = arith.index_cast %add3A_227 : i32 to index
      %get3A_228 = tpu.vector_load %arg7[%get3A] {strides = array<i32>} : memref<16384xi32, #tpu.memory_space<vmem>>, vector<16xi32>,
      %get3A_229 = arith.index_cast %add3A_225 : i32 to index
      %get3A_230 = tpu.vector_load %arg8[%get3A_229] {strides = array<i32>} : memref<4096xf32, #tpu.memory_space<vmem>>, vector<16xf32>,
      %gather3A = tpu.vector_load_idx %arg6[%get3A_228] : memref<100000xf32, #tpu.memory_space<vmem>>[vector<16xi32>], vector<16xf32>,
      %sub3A = arith.subf %get3A_230, %gather3A : vector<16xf32>
      %mul3A_231 = arith.mulf %sub3A, %sub3A : vector<16xf32>
      %add3A_232 = arith.addf %scan3A_212, %mul3A_231 : vector<16xf32>
      %mul3A_233 = arith.constant 16 : i32
      %mul3A_234 = arith.muli %scan3A_211, %mul3A_233 : i32
      %mul3A_235 = arith.constant 8 : i32
      %mul3A_236 = arith.muli %mul3A_234, %mul3A_235 : i32
      %add3A_237 = arith.constant 16 : i32
      %add3A_238 = arith.addi %mul3A_236, %add3A_237 : i32
      %add3A_239 = arith.constant 8192 : i32
      %add3A_240 = arith.addi %add3A_239, %add3A_238 : i32
      %get3A_241 = arith.index_cast %add3A_240 : i32 to index
      %get3A_242 = tpu.vector_load %arg7[%get3A_241] {strides = array<i32>} : memref<16384xi32, #tpu.memory_space<vmem>>, vector<16xi32>,
      %get3A_243 = arith.index_cast %add3A_238 : i32 to index
      %get3A_244 = tpu.vector_load %arg8[%get3A_243] {strides = array<i32>} : memref<4096xf32, #tpu.memory_space<vmem>>, vector<16xf32>,
      %gather3A_245 = tpu.vector_load_idx %arg6[%get3A_242] : memref<100000xf32, #tpu.memory_space<vmem>>[vector<16xi32>], vector<16xf32>,
      %sub3A_246 = arith.subf %get3A_244, %gather3A_245 : vector<16xf32>
      %mul3A_247 = arith.mulf %sub3A_246, %sub3A_246 : vector<16xf32>
      %add3A_248 = arith.addf %scan3A_213, %mul3A_247 : vector<16xf32>
      %mul3A_249 = arith.constant 16 : i32
      %mul3A_250 = arith.muli %scan3A_211, %mul3A_249 : i32
      %mul3A_251 = arith.constant 8 : i32
      %mul3A_252 = arith.muli %mul3A_250, %mul3A_251 : i32
      %add3A_253 = arith.constant 32 : i32
      %add3A_254 = arith.addi %mul3A_252, %add3A_253 : i32
      %add3A_255 = arith.constant 8192 : i32
      %add3A_256 = arith.addi %add3A_255, %add3A_254 : i32
      %get3A_257 = arith.index_cast %add3A_256 : i32 to index
      %get3A_258 = tpu.vector_load %arg7[%get3A_257] {strides = array<i32>} : memref<16384xi32, #tpu.memory_space<vmem>>, vector<16xi32>,
      %get3A_259 = arith.index_cast %add3A_254 : i32 to index
      %get3A_260 = tpu.vector_load %arg8[%get3A_259] {strides = array<i32>} : memref<4096xf32, #tpu.memory_space<vmem>>, vector<16xf32>,
      %gather3A_261 = tpu.vector_load_idx %arg6[%get3A_258] : memref<100000xf32, #tpu.memory_space<vmem>>[vector<16xi32>], vector<16xf32>,
      %sub3A_262 = arith.subf %get3A_260, %gather3A_261 : vector<16xf32>
      %mul3A_263 = arith.mulf %sub3A_262, %sub3A_262 : vector<16xf32>
      %add3A_264 = arith.addf %scan3A_214, %mul3A_263 : vector<16xf32>
      %mul3A_265 = arith.constant 16 : i32
      %mul3A_266 = arith.muli %scan3A_211, %mul3A_265 : i32
      %mul3A_267 = arith.constant 8 : i32
      %mul3A_268 = arith.muli %mul3A_266, %mul3A_267 : i32
      %add3A_269 = arith.constant 48 : i32
      %add3A_270 = arith.addi %mul3A_268, %add3A_269 : i32
      %add3A_271 = arith.constant 8192 : i32
      %add3A_272 = arith.addi %add3A_271, %add3A_270 : i32
      %get3A_273 = arith.index_cast %add3A_272 : i32 to index
      %get3A_274 = tpu.vector_load %arg7[%get3A_273] {strides = array<i32>} : memref<16384xi32, #tpu.memory_space<vmem>>, vector<16xi32>,
      %get3A_275 = arith.index_cast %add3A_270 : i32 to index
      %get3A_276 = tpu.vector_load %arg8[%get3A_275] {strides = array<i32>} : memref<4096xf32, #tpu.memory_space<vmem>>, vector<16xf32>,
      %gather3A_277 = tpu.vector_load_idx %arg6[%get3A_274] : memref<100000xf32, #tpu.memory_space<vmem>>[vector<16xi32>], vector<16xf32>,
      %sub3A_278 = arith.subf %get3A_276, %gather3A_277 : vector<16xf32>
      %mul3A_279 = arith.mulf %sub3A_278, %sub3A_278 : vector<16xf32>
      %add3A_280 = arith.addf %scan3A_215, %mul3A_279 : vector<16xf32>
      %mul3A_281 = arith.constant 16 : i32
      %mul3A_282 = arith.muli %scan3A_211, %mul3A_281 : i32
      %mul3A_283 = arith.constant 8 : i32
      %mul3A_284 = arith.muli %mul3A_282, %mul3A_283 : i32
      %add3A_285 = arith.constant 64 : i32
      %add3A_286 = arith.addi %mul3A_284, %add3A_285 : i32
      %add3A_287 = arith.constant 8192 : i32
      %add3A_288 = arith.addi %add3A_287, %add3A_286 : i32
      %get3A_289 = arith.index_cast %add3A_288 : i32 to index
      %get3A_290 = tpu.vector_load %arg7[%get3A_289] {strides = array<i32>} : memref<16384xi32, #tpu.memory_space<vmem>>, vector<16xi32>,
      %get3A_291 = arith.index_cast %add3A_286 : i32 to index
      %get3A_292 = tpu.vector_load %arg8[%get3A_291] {strides = array<i32>} : memref<4096xf32, #tpu.memory_space<vmem>>, vector<16xf32>,
      %gather3A_293 = tpu.vector_load_idx %arg6[%get3A_290] : memref<100000xf32, #tpu.memory_space<vmem>>[vector<16xi32>], vector<16xf32>,
      %sub3A_294 = arith.subf %get3A_292, %gather3A_293 : vector<16xf32>
      %mul3A_295 = arith.mulf %sub3A_294, %sub3A_294 : vector<16xf32>
      %add3A_296 = arith.addf %scan3A_216, %mul3A_295 : vector<16xf32>
      %mul3A_297 = arith.constant 16 : i32
      %mul3A_298 = arith.muli %scan3A_211, %mul3A_297 : i32
      %mul3A_299 = arith.constant 8 : i32
      %mul3A_300 = arith.muli %mul3A_298, %mul3A_299 : i32
      %add3A_301 = arith.constant 80 : i32
      %add3A_302 = arith.addi %mul3A_300, %add3A_301 : i32
      %add3A_303 = arith.constant 8192 : i32
      %add3A_304 = arith.addi %add3A_303, %add3A_302 : i32
      %get3A_305 = arith.index_cast %add3A_304 : i32 to index
      %get3A_306 = tpu.vector_load %arg7[%get3A_305] {strides = array<i32>} : memref<16384xi32, #tpu.memory_space<vmem>>, vector<16xi32>,
      %get3A_307 = arith.index_cast %add3A_302 : i32 to index
      %get3A_308 = tpu.vector_load %arg8[%get3A_307] {strides = array<i32>} : memref<4096xf32, #tpu.memory_space<vmem>>, vector<16xf32>,
      %gather3A_309 = tpu.vector_load_idx %arg6[%get3A_306] : memref<100000xf32, #tpu.memory_space<vmem>>[vector<16xi32>], vector<16xf32>,
      %sub3A_310 = arith.subf %get3A_308, %gather3A_309 : vector<16xf32>
      %mul3A_311 = arith.mulf %sub3A_310, %sub3A_310 : vector<16xf32>
      %add3A_312 = arith.addf %scan3A_217, %mul3A_311 : vector<16xf32>
      %mul3A_313 = arith.constant 16 : i32
      %mul3A_314 = arith.muli %scan3A_211, %mul3A_313 : i32
      %mul3A_315 = arith.constant 8 : i32
      %mul3A_316 = arith.muli %mul3A_314, %mul3A_315 : i32
      %add3A_317 = arith.constant 96 : i32
      %add3A_318 = arith.addi %mul3A_316, %add3A_317 : i32
      %add3A_319 = arith.constant 8192 : i32
      %add3A_320 = arith.addi %add3A_319, %add3A_318 : i32
      %get3A_321 = arith.index_cast %add3A_320 : i32 to index
      %get3A_322 = tpu.vector_load %arg7[%get3A_321] {strides = array<i32>} : memref<16384xi32, #tpu.memory_space<vmem>>, vector<16xi32>,
      %get3A_323 = arith.index_cast %add3A_318 : i32 to index
      %get3A_324 = tpu.vector_load %arg8[%get3A_323] {strides = array<i32>} : memref<4096xf32, #tpu.memory_space<vmem>>, vector<16xf32>,
      %gather3A_325 = tpu.vector_load_idx %arg6[%get3A_322] : memref<100000xf32, #tpu.memory_space<vmem>>[vector<16xi32>], vector<16xf32>,
      %sub3A_326 = arith.subf %get3A_324, %gather3A_325 : vector<16xf32>
      %mul3A_327 = arith.mulf %sub3A_326, %sub3A_326 : vector<16xf32>
      %add3A_328 = arith.addf %scan3A_218, %mul3A_327 : vector<16xf32>
      %mul3A_329 = arith.constant 16 : i32
      %mul3A_330 = arith.muli %scan3A_211, %mul3A_329 : i32
      %mul3A_331 = arith.constant 8 : i32
      %mul3A_332 = arith.muli %mul3A_330, %mul3A_331 : i32
      %add3A_333 = arith.constant 112 : i32
      %add3A_334 = arith.addi %mul3A_332, %add3A_333 : i32
      %add3A_335 = arith.constant 8192 : i32
      %add3A_336 = arith.addi %add3A_335, %add3A_334 : i32
      %get3A_337 = arith.index_cast %add3A_336 : i32 to index
      %get3A_338 = tpu.vector_load %arg7[%get3A_337] {strides = array<i32>} : memref<16384xi32, #tpu.memory_space<vmem>>, vector<16xi32>,
      %get3A_339 = arith.index_cast %add3A_334 : i32 to index
      %get3A_340 = tpu.vector_load %arg8[%get3A_339] {strides = array<i32>} : memref<4096xf32, #tpu.memory_space<vmem>>, vector<16xf32>,
      %gather3A_341 = tpu.vector_load_idx %arg6[%get3A_338] : memref<100000xf32, #tpu.memory_space<vmem>>[vector<16xi32>], vector<16xf32>,
      %sub3A_342 = arith.subf %get3A_340, %gather3A_341 : vector<16xf32>
      %mul3A_343 = arith.mulf %sub3A_342, %sub3A_342 : vector<16xf32>
      %add3A_344 = arith.addf %scan3A_219, %mul3A_343 : vector<16xf32>
      scf.yield %add3A_232, %add3A_248, %add3A_264, %add3A_280, %add3A_296, %add3A_312, %add3A_328, %add3A_344 : vector<16xf32>, vector<16xf32>, vector<16xf32>, vector<16xf32>, vector<16xf32>, vector<16xf32>, vector<16xf32>, vector<16xf32>
    }
    %scan3A_94 = arith.constant 32 : i32
    %add3A_95 = arith.constant 1 : i32
    %add3A_96 = arith.addi %mul3A_2, %add3A_95 : i32
    %dma_start3A_97 = arith.constant 0 : i32
    %dma_start3A_98 = tpu.memref_slice %arg2[%add3A_96, %dma_start3A_97] : memref<64x16384xf32, #tpu.memory_space<hbm>> -> memref<1x4096xf32, #tpu.memory_space<hbm>>
    %dma_start3A_99 = tpu.memref_squeeze %dma_start3A_98 : memref<1x4096xf32, #tpu.memory_space<hbm>> -> memref<4096xf32, #tpu.memory_space<hbm>>
    %dma_start3A_100 = arith.constant 0 : i32
    %dma_start3A_101 = tpu.memref_slice %arg2[%add3A_96, %dma_start3A_100] : memref<64x16384xf32, #tpu.memory_space<hbm>> -> memref<1x4096xf32, #tpu.memory_space<hbm>>
    %dma_start3A_102 = tpu.memref_squeeze %dma_start3A_101 : memref<1x4096xf32, #tpu.memory_space<hbm>> -> memref<4096xf32, #tpu.memory_space<hbm>>
    tpu.enqueue_dma source(%dma_start3A_102 : memref<4096xf32, #tpu.memory_space<hbm>>) target(%arg8 : memref<4096xf32, #tpu.memory_space<vmem>>) target_semaphore(%arg12 : memref<!tpu.dma_semaphore, #tpu.memory_space<semaphore_mem>>)
    %dma_wait3A_103 = arith.constant 12288 : i32
    %dma_wait3A_104 = tpu.memref_slice %arg2[%add3A_76, %dma_wait3A_103] : memref<64x16384xf32, #tpu.memory_space<hbm>> -> memref<1x4096xf32, #tpu.memory_space<hbm>>
    %dma_wait3A_105 = tpu.memref_squeeze %dma_wait3A_104 : memref<1x4096xf32, #tpu.memory_space<hbm>> -> memref<4096xf32, #tpu.memory_space<hbm>>
    %dma_wait3A_106 = arith.constant 12288 : i32
    %dma_wait3A_107 = tpu.memref_slice %arg2[%add3A_76, %dma_wait3A_106] : memref<64x16384xf32, #tpu.memory_space<hbm>> -> memref<1x4096xf32, #tpu.memory_space<hbm>>
    %dma_wait3A_108 = tpu.memref_squeeze %dma_wait3A_107 : memref<1x4096xf32, #tpu.memory_space<hbm>> -> memref<4096xf32, #tpu.memory_space<hbm>>
    tpu.wait_dma2 semaphore(%arg13 : memref<!tpu.dma_semaphore, #tpu.memory_space<semaphore_mem>>) src(%dma_wait3A_108 : memref<4096xf32, #tpu.memory_space<hbm>>) dst(%arg9 : memref<4096xf32, #tpu.memory_space<vmem>>)
    %scan3A_109 = arith.constant 0 : i32
    %scan3A_110 = arith.constant 32 : i32
    %scan3A_111 = arith.addi %scan3A_109, %scan3A_110 : i32
    %scan3A_112 = arith.constant 1 : i32
    %scan3A_113:8 = scf.for %scan3A_211 = %scan3A_109 to %scan3A_111 step %scan3A_112 iter_args(%scan3A_212 = %scan3A_93#0, %scan3A_213 = %scan3A_93#1, %scan3A_214 = %scan3A_93#2, %scan3A_215 = %scan3A_93#3, %scan3A_216 = %scan3A_93#4, %scan3A_217 = %scan3A_93#5, %scan3A_218 = %scan3A_93#6, %scan3A_219 = %scan3A_93#7) -> (vector<16xf32>, vector<16xf32>, vector<16xf32>, vector<16xf32>, vector<16xf32>, vector<16xf32>, vector<16xf32>, vector<16xf32>)  : i32 {
      %mul3A_220 = arith.constant 16 : i32
      %mul3A_221 = arith.muli %scan3A_211, %mul3A_220 : i32
      %mul3A_222 = arith.constant 8 : i32
      %mul3A_223 = arith.muli %mul3A_221, %mul3A_222 : i32
      %add3A_224 = arith.constant 0 : i32
      %add3A_225 = arith.addi %mul3A_223, %add3A_224 : i32
      %add3A_226 = arith.constant 12288 : i32
      %add3A_227 = arith.addi %add3A_226, %add3A_225 : i32
      %get3A = arith.index_cast %add3A_227 : i32 to index
      %get3A_228 = tpu.vector_load %arg7[%get3A] {strides = array<i32>} : memref<16384xi32, #tpu.memory_space<vmem>>, vector<16xi32>,
      %get3A_229 = arith.index_cast %add3A_225 : i32 to index
      %get3A_230 = tpu.vector_load %arg9[%get3A_229] {strides = array<i32>} : memref<4096xf32, #tpu.memory_space<vmem>>, vector<16xf32>,
      %gather3A = tpu.vector_load_idx %arg6[%get3A_228] : memref<100000xf32, #tpu.memory_space<vmem>>[vector<16xi32>], vector<16xf32>,
      %sub3A = arith.subf %get3A_230, %gather3A : vector<16xf32>
      %mul3A_231 = arith.mulf %sub3A, %sub3A : vector<16xf32>
      %add3A_232 = arith.addf %scan3A_212, %mul3A_231 : vector<16xf32>
      %mul3A_233 = arith.constant 16 : i32
      %mul3A_234 = arith.muli %scan3A_211, %mul3A_233 : i32
      %mul3A_235 = arith.constant 8 : i32
      %mul3A_236 = arith.muli %mul3A_234, %mul3A_235 : i32
      %add3A_237 = arith.constant 16 : i32
      %add3A_238 = arith.addi %mul3A_236, %add3A_237 : i32
      %add3A_239 = arith.constant 12288 : i32
      %add3A_240 = arith.addi %add3A_239, %add3A_238 : i32
      %get3A_241 = arith.index_cast %add3A_240 : i32 to index
      %get3A_242 = tpu.vector_load %arg7[%get3A_241] {strides = array<i32>} : memref<16384xi32, #tpu.memory_space<vmem>>, vector<16xi32>,
      %get3A_243 = arith.index_cast %add3A_238 : i32 to index
      %get3A_244 = tpu.vector_load %arg9[%get3A_243] {strides = array<i32>} : memref<4096xf32, #tpu.memory_space<vmem>>, vector<16xf32>,
      %gather3A_245 = tpu.vector_load_idx %arg6[%get3A_242] : memref<100000xf32, #tpu.memory_space<vmem>>[vector<16xi32>], vector<16xf32>,
      %sub3A_246 = arith.subf %get3A_244, %gather3A_245 : vector<16xf32>
      %mul3A_247 = arith.mulf %sub3A_246, %sub3A_246 : vector<16xf32>
      %add3A_248 = arith.addf %scan3A_213, %mul3A_247 : vector<16xf32>
      %mul3A_249 = arith.constant 16 : i32
      %mul3A_250 = arith.muli %scan3A_211, %mul3A_249 : i32
      %mul3A_251 = arith.constant 8 : i32
      %mul3A_252 = arith.muli %mul3A_250, %mul3A_251 : i32
      %add3A_253 = arith.constant 32 : i32
      %add3A_254 = arith.addi %mul3A_252, %add3A_253 : i32
      %add3A_255 = arith.constant 12288 : i32
      %add3A_256 = arith.addi %add3A_255, %add3A_254 : i32
      %get3A_257 = arith.index_cast %add3A_256 : i32 to index
      %get3A_258 = tpu.vector_load %arg7[%get3A_257] {strides = array<i32>} : memref<16384xi32, #tpu.memory_space<vmem>>, vector<16xi32>,
      %get3A_259 = arith.index_cast %add3A_254 : i32 to index
      %get3A_260 = tpu.vector_load %arg9[%get3A_259] {strides = array<i32>} : memref<4096xf32, #tpu.memory_space<vmem>>, vector<16xf32>,
      %gather3A_261 = tpu.vector_load_idx %arg6[%get3A_258] : memref<100000xf32, #tpu.memory_space<vmem>>[vector<16xi32>], vector<16xf32>,
      %sub3A_262 = arith.subf %get3A_260, %gather3A_261 : vector<16xf32>
      %mul3A_263 = arith.mulf %sub3A_262, %sub3A_262 : vector<16xf32>
      %add3A_264 = arith.addf %scan3A_214, %mul3A_263 : vector<16xf32>
      %mul3A_265 = arith.constant 16 : i32
      %mul3A_266 = arith.muli %scan3A_211, %mul3A_265 : i32
      %mul3A_267 = arith.constant 8 : i32
      %mul3A_268 = arith.muli %mul3A_266, %mul3A_267 : i32
      %add3A_269 = arith.constant 48 : i32
      %add3A_270 = arith.addi %mul3A_268, %add3A_269 : i32
      %add3A_271 = arith.constant 12288 : i32
      %add3A_272 = arith.addi %add3A_271, %add3A_270 : i32
      %get3A_273 = arith.index_cast %add3A_272 : i32 to index
      %get3A_274 = tpu.vector_load %arg7[%get3A_273] {strides = array<i32>} : memref<16384xi32, #tpu.memory_space<vmem>>, vector<16xi32>,
      %get3A_275 = arith.index_cast %add3A_270 : i32 to index
      %get3A_276 = tpu.vector_load %arg9[%get3A_275] {strides = array<i32>} : memref<4096xf32, #tpu.memory_space<vmem>>, vector<16xf32>,
      %gather3A_277 = tpu.vector_load_idx %arg6[%get3A_274] : memref<100000xf32, #tpu.memory_space<vmem>>[vector<16xi32>], vector<16xf32>,
      %sub3A_278 = arith.subf %get3A_276, %gather3A_277 : vector<16xf32>
      %mul3A_279 = arith.mulf %sub3A_278, %sub3A_278 : vector<16xf32>
      %add3A_280 = arith.addf %scan3A_215, %mul3A_279 : vector<16xf32>
      %mul3A_281 = arith.constant 16 : i32
      %mul3A_282 = arith.muli %scan3A_211, %mul3A_281 : i32
      %mul3A_283 = arith.constant 8 : i32
      %mul3A_284 = arith.muli %mul3A_282, %mul3A_283 : i32
      %add3A_285 = arith.constant 64 : i32
      %add3A_286 = arith.addi %mul3A_284, %add3A_285 : i32
      %add3A_287 = arith.constant 12288 : i32
      %add3A_288 = arith.addi %add3A_287, %add3A_286 : i32
      %get3A_289 = arith.index_cast %add3A_288 : i32 to index
      %get3A_290 = tpu.vector_load %arg7[%get3A_289] {strides = array<i32>} : memref<16384xi32, #tpu.memory_space<vmem>>, vector<16xi32>,
      %get3A_291 = arith.index_cast %add3A_286 : i32 to index
      %get3A_292 = tpu.vector_load %arg9[%get3A_291] {strides = array<i32>} : memref<4096xf32, #tpu.memory_space<vmem>>, vector<16xf32>,
      %gather3A_293 = tpu.vector_load_idx %arg6[%get3A_290] : memref<100000xf32, #tpu.memory_space<vmem>>[vector<16xi32>], vector<16xf32>,
      %sub3A_294 = arith.subf %get3A_292, %gather3A_293 : vector<16xf32>
      %mul3A_295 = arith.mulf %sub3A_294, %sub3A_294 : vector<16xf32>
      %add3A_296 = arith.addf %scan3A_216, %mul3A_295 : vector<16xf32>
      %mul3A_297 = arith.constant 16 : i32
      %mul3A_298 = arith.muli %scan3A_211, %mul3A_297 : i32
      %mul3A_299 = arith.constant 8 : i32
      %mul3A_300 = arith.muli %mul3A_298, %mul3A_299 : i32
      %add3A_301 = arith.constant 80 : i32
      %add3A_302 = arith.addi %mul3A_300, %add3A_301 : i32
      %add3A_303 = arith.constant 12288 : i32
      %add3A_304 = arith.addi %add3A_303, %add3A_302 : i32
      %get3A_305 = arith.index_cast %add3A_304 : i32 to index
      %get3A_306 = tpu.vector_load %arg7[%get3A_305] {strides = array<i32>} : memref<16384xi32, #tpu.memory_space<vmem>>, vector<16xi32>,
      %get3A_307 = arith.index_cast %add3A_302 : i32 to index
      %get3A_308 = tpu.vector_load %arg9[%get3A_307] {strides = array<i32>} : memref<4096xf32, #tpu.memory_space<vmem>>, vector<16xf32>,
      %gather3A_309 = tpu.vector_load_idx %arg6[%get3A_306] : memref<100000xf32, #tpu.memory_space<vmem>>[vector<16xi32>], vector<16xf32>,
      %sub3A_310 = arith.subf %get3A_308, %gather3A_309 : vector<16xf32>
      %mul3A_311 = arith.mulf %sub3A_310, %sub3A_310 : vector<16xf32>
      %add3A_312 = arith.addf %scan3A_217, %mul3A_311 : vector<16xf32>
      %mul3A_313 = arith.constant 16 : i32
      %mul3A_314 = arith.muli %scan3A_211, %mul3A_313 : i32
      %mul3A_315 = arith.constant 8 : i32
      %mul3A_316 = arith.muli %mul3A_314, %mul3A_315 : i32
      %add3A_317 = arith.constant 96 : i32
      %add3A_318 = arith.addi %mul3A_316, %add3A_317 : i32
      %add3A_319 = arith.constant 12288 : i32
      %add3A_320 = arith.addi %add3A_319, %add3A_318 : i32
      %get3A_321 = arith.index_cast %add3A_320 : i32 to index
      %get3A_322 = tpu.vector_load %arg7[%get3A_321] {strides = array<i32>} : memref<16384xi32, #tpu.memory_space<vmem>>, vector<16xi32>,
      %get3A_323 = arith.index_cast %add3A_318 : i32 to index
      %get3A_324 = tpu.vector_load %arg9[%get3A_323] {strides = array<i32>} : memref<4096xf32, #tpu.memory_space<vmem>>, vector<16xf32>,
      %gather3A_325 = tpu.vector_load_idx %arg6[%get3A_322] : memref<100000xf32, #tpu.memory_space<vmem>>[vector<16xi32>], vector<16xf32>,
      %sub3A_326 = arith.subf %get3A_324, %gather3A_325 : vector<16xf32>
      %mul3A_327 = arith.mulf %sub3A_326, %sub3A_326 : vector<16xf32>
      %add3A_328 = arith.addf %scan3A_218, %mul3A_327 : vector<16xf32>
      %mul3A_329 = arith.constant 16 : i32
      %mul3A_330 = arith.muli %scan3A_211, %mul3A_329 : i32
      %mul3A_331 = arith.constant 8 : i32
      %mul3A_332 = arith.muli %mul3A_330, %mul3A_331 : i32
      %add3A_333 = arith.constant 112 : i32
      %add3A_334 = arith.addi %mul3A_332, %add3A_333 : i32
      %add3A_335 = arith.constant 12288 : i32
      %add3A_336 = arith.addi %add3A_335, %add3A_334 : i32
      %get3A_337 = arith.index_cast %add3A_336 : i32 to index
      %get3A_338 = tpu.vector_load %arg7[%get3A_337] {strides = array<i32>} : memref<16384xi32, #tpu.memory_space<vmem>>, vector<16xi32>,
      %get3A_339 = arith.index_cast %add3A_334 : i32 to index
      %get3A_340 = tpu.vector_load %arg9[%get3A_339] {strides = array<i32>} : memref<4096xf32, #tpu.memory_space<vmem>>, vector<16xf32>,
      %gather3A_341 = tpu.vector_load_idx %arg6[%get3A_338] : memref<100000xf32, #tpu.memory_space<vmem>>[vector<16xi32>], vector<16xf32>,
      %sub3A_342 = arith.subf %get3A_340, %gather3A_341 : vector<16xf32>
      %mul3A_343 = arith.mulf %sub3A_342, %sub3A_342 : vector<16xf32>
      %add3A_344 = arith.addf %scan3A_219, %mul3A_343 : vector<16xf32>
      scf.yield %add3A_232, %add3A_248, %add3A_264, %add3A_280, %add3A_296, %add3A_312, %add3A_328, %add3A_344 : vector<16xf32>, vector<16xf32>, vector<16xf32>, vector<16xf32>, vector<16xf32>, vector<16xf32>, vector<16xf32>, vector<16xf32>
    }
    %scan3A_114 = arith.constant 32 : i32
    %add3A_115 = arith.constant 1 : i32
    %add3A_116 = arith.addi %mul3A_2, %add3A_115 : i32
    %dma_start3A_117 = arith.constant 4096 : i32
    %dma_start3A_118 = tpu.memref_slice %arg2[%add3A_116, %dma_start3A_117] : memref<64x16384xf32, #tpu.memory_space<hbm>> -> memref<1x4096xf32, #tpu.memory_space<hbm>>
    %dma_start3A_119 = tpu.memref_squeeze %dma_start3A_118 : memref<1x4096xf32, #tpu.memory_space<hbm>> -> memref<4096xf32, #tpu.memory_space<hbm>>
    %dma_start3A_120 = arith.constant 4096 : i32
    %dma_start3A_121 = tpu.memref_slice %arg2[%add3A_116, %dma_start3A_120] : memref<64x16384xf32, #tpu.memory_space<hbm>> -> memref<1x4096xf32, #tpu.memory_space<hbm>>
    %dma_start3A_122 = tpu.memref_squeeze %dma_start3A_121 : memref<1x4096xf32, #tpu.memory_space<hbm>> -> memref<4096xf32, #tpu.memory_space<hbm>>
    tpu.enqueue_dma source(%dma_start3A_122 : memref<4096xf32, #tpu.memory_space<hbm>>) target(%arg9 : memref<4096xf32, #tpu.memory_space<vmem>>) target_semaphore(%arg13 : memref<!tpu.dma_semaphore, #tpu.memory_space<semaphore_mem>>)
    %add3A_123 = arith.constant 0 : i32
    %add3A_124 = arith.addi %mul3A_2, %add3A_123 : i32
    %add3A_125 = arith.constant 1 : i32
    %add3A_126 = arith.addi %add3A_124, %add3A_125 : i32
    %dma_start3A_127 = arith.constant 0 : i32
    %dma_start3A_128 = tpu.memref_slice %arg4[%add3A_126, %dma_start3A_127] : memref<64x100000xf32, #tpu.memory_space<hbm>> -> memref<1x100000xf32, #tpu.memory_space<hbm>>
    %dma_start3A_129 = tpu.memref_squeeze %dma_start3A_128 : memref<1x100000xf32, #tpu.memory_space<hbm>> -> memref<100000xf32, #tpu.memory_space<hbm>>
    %dma_start3A_130 = arith.constant 0 : i32
    %dma_start3A_131 = tpu.memref_slice %arg4[%add3A_126, %dma_start3A_130] : memref<64x100000xf32, #tpu.memory_space<hbm>> -> memref<1x100000xf32, #tpu.memory_space<hbm>>
    %dma_start3A_132 = tpu.memref_squeeze %dma_start3A_131 : memref<1x100000xf32, #tpu.memory_space<hbm>> -> memref<100000xf32, #tpu.memory_space<hbm>>
    tpu.enqueue_dma source(%dma_start3A_132 : memref<100000xf32, #tpu.memory_space<hbm>>) target(%arg6 : memref<100000xf32, #tpu.memory_space<vmem>>) target_semaphore(%arg11 : memref<!tpu.dma_semaphore, #tpu.memory_space<semaphore_mem>>)
    %dma_wait3A_133 = arith.constant 0 : i32
    %dma_wait3A_134 = tpu.memref_slice %arg4[%add3A_126, %dma_wait3A_133] : memref<64x100000xf32, #tpu.memory_space<hbm>> -> memref<1x100000xf32, #tpu.memory_space<hbm>>
    %dma_wait3A_135 = tpu.memref_squeeze %dma_wait3A_134 : memref<1x100000xf32, #tpu.memory_space<hbm>> -> memref<100000xf32, #tpu.memory_space<hbm>>
    %dma_wait3A_136 = arith.constant 0 : i32
    %dma_wait3A_137 = tpu.memref_slice %arg4[%add3A_126, %dma_wait3A_136] : memref<64x100000xf32, #tpu.memory_space<hbm>> -> memref<1x100000xf32, #tpu.memory_space<hbm>>
    %dma_wait3A_138 = tpu.memref_squeeze %dma_wait3A_137 : memref<1x100000xf32, #tpu.memory_space<hbm>> -> memref<100000xf32, #tpu.memory_space<hbm>>
    tpu.wait_dma2 semaphore(%arg11 : memref<!tpu.dma_semaphore, #tpu.memory_space<semaphore_mem>>) src(%dma_wait3A_138 : memref<100000xf32, #tpu.memory_space<hbm>>) dst(%arg6 : memref<100000xf32, #tpu.memory_space<vmem>>)
    %dma_wait3A_139 = arith.constant 0 : i32
    %dma_wait3A_140 = tpu.memref_slice %arg2[%add3A_96, %dma_wait3A_139] : memref<64x16384xf32, #tpu.memory_space<hbm>> -> memref<1x4096xf32, #tpu.memory_space<hbm>>
    %dma_wait3A_141 = tpu.memref_squeeze %dma_wait3A_140 : memref<1x4096xf32, #tpu.memory_space<hbm>> -> memref<4096xf32, #tpu.memory_space<hbm>>
    %dma_wait3A_142 = arith.constant 0 : i32
    %dma_wait3A_143 = tpu.memref_slice %arg2[%add3A_96, %dma_wait3A_142] : memref<64x16384xf32, #tpu.memory_space<hbm>> -> memref<1x4096xf32, #tpu.memory_space<hbm>>
    %dma_wait3A_144 = tpu.memref_squeeze %dma_wait3A_143 : memref<1x4096xf32, #tpu.memory_space<hbm>> -> memref<4096xf32, #tpu.memory_space<hbm>>
    tpu.wait_dma2 semaphore(%arg12 : memref<!tpu.dma_semaphore, #tpu.memory_space<semaphore_mem>>) src(%dma_wait3A_144 : memref<4096xf32, #tpu.memory_space<hbm>>) dst(%arg8 : memref<4096xf32, #tpu.memory_space<vmem>>)
    %scan3A_145 = arith.constant 0 : i32
    %scan3A_146 = arith.constant 32 : i32
    %scan3A_147 = arith.addi %scan3A_145, %scan3A_146 : i32
    %scan3A_148 = arith.constant 1 : i32
    %scan3A_149:8 = scf.for %scan3A_211 = %scan3A_145 to %scan3A_147 step %scan3A_148 iter_args(%scan3A_212 = %scan3A_113#0, %scan3A_213 = %scan3A_113#1, %scan3A_214 = %scan3A_113#2, %scan3A_215 = %scan3A_113#3, %scan3A_216 = %scan3A_113#4, %scan3A_217 = %scan3A_113#5, %scan3A_218 = %scan3A_113#6, %scan3A_219 = %scan3A_113#7) -> (vector<16xf32>, vector<16xf32>, vector<16xf32>, vector<16xf32>, vector<16xf32>, vector<16xf32>, vector<16xf32>, vector<16xf32>)  : i32 {
      %mul3A_220 = arith.constant 16 : i32
      %mul3A_221 = arith.muli %scan3A_211, %mul3A_220 : i32
      %mul3A_222 = arith.constant 8 : i32
      %mul3A_223 = arith.muli %mul3A_221, %mul3A_222 : i32
      %add3A_224 = arith.constant 0 : i32
      %add3A_225 = arith.addi %mul3A_223, %add3A_224 : i32
      %add3A_226 = arith.constant 0 : i32
      %add3A_227 = arith.addi %add3A_226, %add3A_225 : i32
      %get3A = arith.index_cast %add3A_227 : i32 to index
      %get3A_228 = tpu.vector_load %arg7[%get3A] {strides = array<i32>} : memref<16384xi32, #tpu.memory_space<vmem>>, vector<16xi32>,
      %get3A_229 = arith.index_cast %add3A_225 : i32 to index
      %get3A_230 = tpu.vector_load %arg8[%get3A_229] {strides = array<i32>} : memref<4096xf32, #tpu.memory_space<vmem>>, vector<16xf32>,
      %gather3A = tpu.vector_load_idx %arg6[%get3A_228] : memref<100000xf32, #tpu.memory_space<vmem>>[vector<16xi32>], vector<16xf32>,
      %sub3A = arith.subf %get3A_230, %gather3A : vector<16xf32>
      %mul3A_231 = arith.mulf %sub3A, %sub3A : vector<16xf32>
      %add3A_232 = arith.addf %scan3A_212, %mul3A_231 : vector<16xf32>
      %mul3A_233 = arith.constant 16 : i32
      %mul3A_234 = arith.muli %scan3A_211, %mul3A_233 : i32
      %mul3A_235 = arith.constant 8 : i32
      %mul3A_236 = arith.muli %mul3A_234, %mul3A_235 : i32
      %add3A_237 = arith.constant 16 : i32
      %add3A_238 = arith.addi %mul3A_236, %add3A_237 : i32
      %add3A_239 = arith.constant 0 : i32
      %add3A_240 = arith.addi %add3A_239, %add3A_238 : i32
      %get3A_241 = arith.index_cast %add3A_240 : i32 to index
      %get3A_242 = tpu.vector_load %arg7[%get3A_241] {strides = array<i32>} : memref<16384xi32, #tpu.memory_space<vmem>>, vector<16xi32>,
      %get3A_243 = arith.index_cast %add3A_238 : i32 to index
      %get3A_244 = tpu.vector_load %arg8[%get3A_243] {strides = array<i32>} : memref<4096xf32, #tpu.memory_space<vmem>>, vector<16xf32>,
      %gather3A_245 = tpu.vector_load_idx %arg6[%get3A_242] : memref<100000xf32, #tpu.memory_space<vmem>>[vector<16xi32>], vector<16xf32>,
      %sub3A_246 = arith.subf %get3A_244, %gather3A_245 : vector<16xf32>
      %mul3A_247 = arith.mulf %sub3A_246, %sub3A_246 : vector<16xf32>
      %add3A_248 = arith.addf %scan3A_213, %mul3A_247 : vector<16xf32>
      %mul3A_249 = arith.constant 16 : i32
      %mul3A_250 = arith.muli %scan3A_211, %mul3A_249 : i32
      %mul3A_251 = arith.constant 8 : i32
      %mul3A_252 = arith.muli %mul3A_250, %mul3A_251 : i32
      %add3A_253 = arith.constant 32 : i32
      %add3A_254 = arith.addi %mul3A_252, %add3A_253 : i32
      %add3A_255 = arith.constant 0 : i32
      %add3A_256 = arith.addi %add3A_255, %add3A_254 : i32
      %get3A_257 = arith.index_cast %add3A_256 : i32 to index
      %get3A_258 = tpu.vector_load %arg7[%get3A_257] {strides = array<i32>} : memref<16384xi32, #tpu.memory_space<vmem>>, vector<16xi32>,
      %get3A_259 = arith.index_cast %add3A_254 : i32 to index
      %get3A_260 = tpu.vector_load %arg8[%get3A_259] {strides = array<i32>} : memref<4096xf32, #tpu.memory_space<vmem>>, vector<16xf32>,
      %gather3A_261 = tpu.vector_load_idx %arg6[%get3A_258] : memref<100000xf32, #tpu.memory_space<vmem>>[vector<16xi32>], vector<16xf32>,
      %sub3A_262 = arith.subf %get3A_260, %gather3A_261 : vector<16xf32>
      %mul3A_263 = arith.mulf %sub3A_262, %sub3A_262 : vector<16xf32>
      %add3A_264 = arith.addf %scan3A_214, %mul3A_263 : vector<16xf32>
      %mul3A_265 = arith.constant 16 : i32
      %mul3A_266 = arith.muli %scan3A_211, %mul3A_265 : i32
      %mul3A_267 = arith.constant 8 : i32
      %mul3A_268 = arith.muli %mul3A_266, %mul3A_267 : i32
      %add3A_269 = arith.constant 48 : i32
      %add3A_270 = arith.addi %mul3A_268, %add3A_269 : i32
      %add3A_271 = arith.constant 0 : i32
      %add3A_272 = arith.addi %add3A_271, %add3A_270 : i32
      %get3A_273 = arith.index_cast %add3A_272 : i32 to index
      %get3A_274 = tpu.vector_load %arg7[%get3A_273] {strides = array<i32>} : memref<16384xi32, #tpu.memory_space<vmem>>, vector<16xi32>,
      %get3A_275 = arith.index_cast %add3A_270 : i32 to index
      %get3A_276 = tpu.vector_load %arg8[%get3A_275] {strides = array<i32>} : memref<4096xf32, #tpu.memory_space<vmem>>, vector<16xf32>,
      %gather3A_277 = tpu.vector_load_idx %arg6[%get3A_274] : memref<100000xf32, #tpu.memory_space<vmem>>[vector<16xi32>], vector<16xf32>,
      %sub3A_278 = arith.subf %get3A_276, %gather3A_277 : vector<16xf32>
      %mul3A_279 = arith.mulf %sub3A_278, %sub3A_278 : vector<16xf32>
      %add3A_280 = arith.addf %scan3A_215, %mul3A_279 : vector<16xf32>
      %mul3A_281 = arith.constant 16 : i32
      %mul3A_282 = arith.muli %scan3A_211, %mul3A_281 : i32
      %mul3A_283 = arith.constant 8 : i32
      %mul3A_284 = arith.muli %mul3A_282, %mul3A_283 : i32
      %add3A_285 = arith.constant 64 : i32
      %add3A_286 = arith.addi %mul3A_284, %add3A_285 : i32
      %add3A_287 = arith.constant 0 : i32
      %add3A_288 = arith.addi %add3A_287, %add3A_286 : i32
      %get3A_289 = arith.index_cast %add3A_288 : i32 to index
      %get3A_290 = tpu.vector_load %arg7[%get3A_289] {strides = array<i32>} : memref<16384xi32, #tpu.memory_space<vmem>>, vector<16xi32>,
      %get3A_291 = arith.index_cast %add3A_286 : i32 to index
      %get3A_292 = tpu.vector_load %arg8[%get3A_291] {strides = array<i32>} : memref<4096xf32, #tpu.memory_space<vmem>>, vector<16xf32>,
      %gather3A_293 = tpu.vector_load_idx %arg6[%get3A_290] : memref<100000xf32, #tpu.memory_space<vmem>>[vector<16xi32>], vector<16xf32>,
      %sub3A_294 = arith.subf %get3A_292, %gather3A_293 : vector<16xf32>
      %mul3A_295 = arith.mulf %sub3A_294, %sub3A_294 : vector<16xf32>
      %add3A_296 = arith.addf %scan3A_216, %mul3A_295 : vector<16xf32>
      %mul3A_297 = arith.constant 16 : i32
      %mul3A_298 = arith.muli %scan3A_211, %mul3A_297 : i32
      %mul3A_299 = arith.constant 8 : i32
      %mul3A_300 = arith.muli %mul3A_298, %mul3A_299 : i32
      %add3A_301 = arith.constant 80 : i32
      %add3A_302 = arith.addi %mul3A_300, %add3A_301 : i32
      %add3A_303 = arith.constant 0 : i32
      %add3A_304 = arith.addi %add3A_303, %add3A_302 : i32
      %get3A_305 = arith.index_cast %add3A_304 : i32 to index
      %get3A_306 = tpu.vector_load %arg7[%get3A_305] {strides = array<i32>} : memref<16384xi32, #tpu.memory_space<vmem>>, vector<16xi32>,
      %get3A_307 = arith.index_cast %add3A_302 : i32 to index
      %get3A_308 = tpu.vector_load %arg8[%get3A_307] {strides = array<i32>} : memref<4096xf32, #tpu.memory_space<vmem>>, vector<16xf32>,
      %gather3A_309 = tpu.vector_load_idx %arg6[%get3A_306] : memref<100000xf32, #tpu.memory_space<vmem>>[vector<16xi32>], vector<16xf32>,
      %sub3A_310 = arith.subf %get3A_308, %gather3A_309 : vector<16xf32>
      %mul3A_311 = arith.mulf %sub3A_310, %sub3A_310 : vector<16xf32>
      %add3A_312 = arith.addf %scan3A_217, %mul3A_311 : vector<16xf32>
      %mul3A_313 = arith.constant 16 : i32
      %mul3A_314 = arith.muli %scan3A_211, %mul3A_313 : i32
      %mul3A_315 = arith.constant 8 : i32
      %mul3A_316 = arith.muli %mul3A_314, %mul3A_315 : i32
      %add3A_317 = arith.constant 96 : i32
      %add3A_318 = arith.addi %mul3A_316, %add3A_317 : i32
      %add3A_319 = arith.constant 0 : i32
      %add3A_320 = arith.addi %add3A_319, %add3A_318 : i32
      %get3A_321 = arith.index_cast %add3A_320 : i32 to index
      %get3A_322 = tpu.vector_load %arg7[%get3A_321] {strides = array<i32>} : memref<16384xi32, #tpu.memory_space<vmem>>, vector<16xi32>,
      %get3A_323 = arith.index_cast %add3A_318 : i32 to index
      %get3A_324 = tpu.vector_load %arg8[%get3A_323] {strides = array<i32>} : memref<4096xf32, #tpu.memory_space<vmem>>, vector<16xf32>,
      %gather3A_325 = tpu.vector_load_idx %arg6[%get3A_322] : memref<100000xf32, #tpu.memory_space<vmem>>[vector<16xi32>], vector<16xf32>,
      %sub3A_326 = arith.subf %get3A_324, %gather3A_325 : vector<16xf32>
      %mul3A_327 = arith.mulf %sub3A_326, %sub3A_326 : vector<16xf32>
      %add3A_328 = arith.addf %scan3A_218, %mul3A_327 : vector<16xf32>
      %mul3A_329 = arith.constant 16 : i32
      %mul3A_330 = arith.muli %scan3A_211, %mul3A_329 : i32
      %mul3A_331 = arith.constant 8 : i32
      %mul3A_332 = arith.muli %mul3A_330, %mul3A_331 : i32
      %add3A_333 = arith.constant 112 : i32
      %add3A_334 = arith.addi %mul3A_332, %add3A_333 : i32
      %add3A_335 = arith.constant 0 : i32
      %add3A_336 = arith.addi %add3A_335, %add3A_334 : i32
      %get3A_337 = arith.index_cast %add3A_336 : i32 to index
      %get3A_338 = tpu.vector_load %arg7[%get3A_337] {strides = array<i32>} : memref<16384xi32, #tpu.memory_space<vmem>>, vector<16xi32>,
      %get3A_339 = arith.index_cast %add3A_334 : i32 to index
      %get3A_340 = tpu.vector_load %arg8[%get3A_339] {strides = array<i32>} : memref<4096xf32, #tpu.memory_space<vmem>>, vector<16xf32>,
      %gather3A_341 = tpu.vector_load_idx %arg6[%get3A_338] : memref<100000xf32, #tpu.memory_space<vmem>>[vector<16xi32>], vector<16xf32>,
      %sub3A_342 = arith.subf %get3A_340, %gather3A_341 : vector<16xf32>
      %mul3A_343 = arith.mulf %sub3A_342, %sub3A_342 : vector<16xf32>
      %add3A_344 = arith.addf %scan3A_219, %mul3A_343 : vector<16xf32>
      scf.yield %add3A_232, %add3A_248, %add3A_264, %add3A_280, %add3A_296, %add3A_312, %add3A_328, %add3A_344 : vector<16xf32>, vector<16xf32>, vector<16xf32>, vector<16xf32>, vector<16xf32>, vector<16xf32>, vector<16xf32>, vector<16xf32>
    }
    %scan3A_150 = arith.constant 32 : i32
    %add3A_151 = arith.constant 1 : i32
    %add3A_152 = arith.addi %mul3A_2, %add3A_151 : i32
    %dma_start3A_153 = arith.constant 8192 : i32
    %dma_start3A_154 = tpu.memref_slice %arg2[%add3A_152, %dma_start3A_153] : memref<64x16384xf32, #tpu.memory_space<hbm>> -> memref<1x4096xf32, #tpu.memory_space<hbm>>
    %dma_start3A_155 = tpu.memref_squeeze %dma_start3A_154 : memref<1x4096xf32, #tpu.memory_space<hbm>> -> memref<4096xf32, #tpu.memory_space<hbm>>
    %dma_start3A_156 = arith.constant 8192 : i32
    %dma_start3A_157 = tpu.memref_slice %arg2[%add3A_152, %dma_start3A_156] : memref<64x16384xf32, #tpu.memory_space<hbm>> -> memref<1x4096xf32, #tpu.memory_space<hbm>>
    %dma_start3A_158 = tpu.memref_squeeze %dma_start3A_157 : memref<1x4096xf32, #tpu.memory_space<hbm>> -> memref<4096xf32, #tpu.memory_space<hbm>>
    tpu.enqueue_dma source(%dma_start3A_158 : memref<4096xf32, #tpu.memory_space<hbm>>) target(%arg8 : memref<4096xf32, #tpu.memory_space<vmem>>) target_semaphore(%arg12 : memref<!tpu.dma_semaphore, #tpu.memory_space<semaphore_mem>>)
    %dma_wait3A_159 = arith.constant 4096 : i32
    %dma_wait3A_160 = tpu.memref_slice %arg2[%add3A_116, %dma_wait3A_159] : memref<64x16384xf32, #tpu.memory_space<hbm>> -> memref<1x4096xf32, #tpu.memory_space<hbm>>
    %dma_wait3A_161 = tpu.memref_squeeze %dma_wait3A_160 : memref<1x4096xf32, #tpu.memory_space<hbm>> -> memref<4096xf32, #tpu.memory_space<hbm>>
    %dma_wait3A_162 = arith.constant 4096 : i32
    %dma_wait3A_163 = tpu.memref_slice %arg2[%add3A_116, %dma_wait3A_162] : memref<64x16384xf32, #tpu.memory_space<hbm>> -> memref<1x4096xf32, #tpu.memory_space<hbm>>
    %dma_wait3A_164 = tpu.memref_squeeze %dma_wait3A_163 : memref<1x4096xf32, #tpu.memory_space<hbm>> -> memref<4096xf32, #tpu.memory_space<hbm>>
    tpu.wait_dma2 semaphore(%arg13 : memref<!tpu.dma_semaphore, #tpu.memory_space<semaphore_mem>>) src(%dma_wait3A_164 : memref<4096xf32, #tpu.memory_space<hbm>>) dst(%arg9 : memref<4096xf32, #tpu.memory_space<vmem>>)
    %scan3A_165 = arith.constant 0 : i32
    %scan3A_166 = arith.constant 32 : i32
    %scan3A_167 = arith.addi %scan3A_165, %scan3A_166 : i32
    %scan3A_168 = arith.constant 1 : i32
    %scan3A_169:8 = scf.for %scan3A_211 = %scan3A_165 to %scan3A_167 step %scan3A_168 iter_args(%scan3A_212 = %scan3A_149#0, %scan3A_213 = %scan3A_149#1, %scan3A_214 = %scan3A_149#2, %scan3A_215 = %scan3A_149#3, %scan3A_216 = %scan3A_149#4, %scan3A_217 = %scan3A_149#5, %scan3A_218 = %scan3A_149#6, %scan3A_219 = %scan3A_149#7) -> (vector<16xf32>, vector<16xf32>, vector<16xf32>, vector<16xf32>, vector<16xf32>, vector<16xf32>, vector<16xf32>, vector<16xf32>)  : i32 {
      %mul3A_220 = arith.constant 16 : i32
      %mul3A_221 = arith.muli %scan3A_211, %mul3A_220 : i32
      %mul3A_222 = arith.constant 8 : i32
      %mul3A_223 = arith.muli %mul3A_221, %mul3A_222 : i32
      %add3A_224 = arith.constant 0 : i32
      %add3A_225 = arith.addi %mul3A_223, %add3A_224 : i32
      %add3A_226 = arith.constant 4096 : i32
      %add3A_227 = arith.addi %add3A_226, %add3A_225 : i32
      %get3A = arith.index_cast %add3A_227 : i32 to index
      %get3A_228 = tpu.vector_load %arg7[%get3A] {strides = array<i32>} : memref<16384xi32, #tpu.memory_space<vmem>>, vector<16xi32>,
      %get3A_229 = arith.index_cast %add3A_225 : i32 to index
      %get3A_230 = tpu.vector_load %arg9[%get3A_229] {strides = array<i32>} : memref<4096xf32, #tpu.memory_space<vmem>>, vector<16xf32>,
      %gather3A = tpu.vector_load_idx %arg6[%get3A_228] : memref<100000xf32, #tpu.memory_space<vmem>>[vector<16xi32>], vector<16xf32>,
      %sub3A = arith.subf %get3A_230, %gather3A : vector<16xf32>
      %mul3A_231 = arith.mulf %sub3A, %sub3A : vector<16xf32>
      %add3A_232 = arith.addf %scan3A_212, %mul3A_231 : vector<16xf32>
      %mul3A_233 = arith.constant 16 : i32
      %mul3A_234 = arith.muli %scan3A_211, %mul3A_233 : i32
      %mul3A_235 = arith.constant 8 : i32
      %mul3A_236 = arith.muli %mul3A_234, %mul3A_235 : i32
      %add3A_237 = arith.constant 16 : i32
      %add3A_238 = arith.addi %mul3A_236, %add3A_237 : i32
      %add3A_239 = arith.constant 4096 : i32
      %add3A_240 = arith.addi %add3A_239, %add3A_238 : i32
      %get3A_241 = arith.index_cast %add3A_240 : i32 to index
      %get3A_242 = tpu.vector_load %arg7[%get3A_241] {strides = array<i32>} : memref<16384xi32, #tpu.memory_space<vmem>>, vector<16xi32>,
      %get3A_243 = arith.index_cast %add3A_238 : i32 to index
      %get3A_244 = tpu.vector_load %arg9[%get3A_243] {strides = array<i32>} : memref<4096xf32, #tpu.memory_space<vmem>>, vector<16xf32>,
      %gather3A_245 = tpu.vector_load_idx %arg6[%get3A_242] : memref<100000xf32, #tpu.memory_space<vmem>>[vector<16xi32>], vector<16xf32>,
      %sub3A_246 = arith.subf %get3A_244, %gather3A_245 : vector<16xf32>
      %mul3A_247 = arith.mulf %sub3A_246, %sub3A_246 : vector<16xf32>
      %add3A_248 = arith.addf %scan3A_213, %mul3A_247 : vector<16xf32>
      %mul3A_249 = arith.constant 16 : i32
      %mul3A_250 = arith.muli %scan3A_211, %mul3A_249 : i32
      %mul3A_251 = arith.constant 8 : i32
      %mul3A_252 = arith.muli %mul3A_250, %mul3A_251 : i32
      %add3A_253 = arith.constant 32 : i32
      %add3A_254 = arith.addi %mul3A_252, %add3A_253 : i32
      %add3A_255 = arith.constant 4096 : i32
      %add3A_256 = arith.addi %add3A_255, %add3A_254 : i32
      %get3A_257 = arith.index_cast %add3A_256 : i32 to index
      %get3A_258 = tpu.vector_load %arg7[%get3A_257] {strides = array<i32>} : memref<16384xi32, #tpu.memory_space<vmem>>, vector<16xi32>,
      %get3A_259 = arith.index_cast %add3A_254 : i32 to index
      %get3A_260 = tpu.vector_load %arg9[%get3A_259] {strides = array<i32>} : memref<4096xf32, #tpu.memory_space<vmem>>, vector<16xf32>,
      %gather3A_261 = tpu.vector_load_idx %arg6[%get3A_258] : memref<100000xf32, #tpu.memory_space<vmem>>[vector<16xi32>], vector<16xf32>,
      %sub3A_262 = arith.subf %get3A_260, %gather3A_261 : vector<16xf32>
      %mul3A_263 = arith.mulf %sub3A_262, %sub3A_262 : vector<16xf32>
      %add3A_264 = arith.addf %scan3A_214, %mul3A_263 : vector<16xf32>
      %mul3A_265 = arith.constant 16 : i32
      %mul3A_266 = arith.muli %scan3A_211, %mul3A_265 : i32
      %mul3A_267 = arith.constant 8 : i32
      %mul3A_268 = arith.muli %mul3A_266, %mul3A_267 : i32
      %add3A_269 = arith.constant 48 : i32
      %add3A_270 = arith.addi %mul3A_268, %add3A_269 : i32
      %add3A_271 = arith.constant 4096 : i32
      %add3A_272 = arith.addi %add3A_271, %add3A_270 : i32
      %get3A_273 = arith.index_cast %add3A_272 : i32 to index
      %get3A_274 = tpu.vector_load %arg7[%get3A_273] {strides = array<i32>} : memref<16384xi32, #tpu.memory_space<vmem>>, vector<16xi32>,
      %get3A_275 = arith.index_cast %add3A_270 : i32 to index
      %get3A_276 = tpu.vector_load %arg9[%get3A_275] {strides = array<i32>} : memref<4096xf32, #tpu.memory_space<vmem>>, vector<16xf32>,
      %gather3A_277 = tpu.vector_load_idx %arg6[%get3A_274] : memref<100000xf32, #tpu.memory_space<vmem>>[vector<16xi32>], vector<16xf32>,
      %sub3A_278 = arith.subf %get3A_276, %gather3A_277 : vector<16xf32>
      %mul3A_279 = arith.mulf %sub3A_278, %sub3A_278 : vector<16xf32>
      %add3A_280 = arith.addf %scan3A_215, %mul3A_279 : vector<16xf32>
      %mul3A_281 = arith.constant 16 : i32
      %mul3A_282 = arith.muli %scan3A_211, %mul3A_281 : i32
      %mul3A_283 = arith.constant 8 : i32
      %mul3A_284 = arith.muli %mul3A_282, %mul3A_283 : i32
      %add3A_285 = arith.constant 64 : i32
      %add3A_286 = arith.addi %mul3A_284, %add3A_285 : i32
      %add3A_287 = arith.constant 4096 : i32
      %add3A_288 = arith.addi %add3A_287, %add3A_286 : i32
      %get3A_289 = arith.index_cast %add3A_288 : i32 to index
      %get3A_290 = tpu.vector_load %arg7[%get3A_289] {strides = array<i32>} : memref<16384xi32, #tpu.memory_space<vmem>>, vector<16xi32>,
      %get3A_291 = arith.index_cast %add3A_286 : i32 to index
      %get3A_292 = tpu.vector_load %arg9[%get3A_291] {strides = array<i32>} : memref<4096xf32, #tpu.memory_space<vmem>>, vector<16xf32>,
      %gather3A_293 = tpu.vector_load_idx %arg6[%get3A_290] : memref<100000xf32, #tpu.memory_space<vmem>>[vector<16xi32>], vector<16xf32>,
      %sub3A_294 = arith.subf %get3A_292, %gather3A_293 : vector<16xf32>
      %mul3A_295 = arith.mulf %sub3A_294, %sub3A_294 : vector<16xf32>
      %add3A_296 = arith.addf %scan3A_216, %mul3A_295 : vector<16xf32>
      %mul3A_297 = arith.constant 16 : i32
      %mul3A_298 = arith.muli %scan3A_211, %mul3A_297 : i32
      %mul3A_299 = arith.constant 8 : i32
      %mul3A_300 = arith.muli %mul3A_298, %mul3A_299 : i32
      %add3A_301 = arith.constant 80 : i32
      %add3A_302 = arith.addi %mul3A_300, %add3A_301 : i32
      %add3A_303 = arith.constant 4096 : i32
      %add3A_304 = arith.addi %add3A_303, %add3A_302 : i32
      %get3A_305 = arith.index_cast %add3A_304 : i32 to index
      %get3A_306 = tpu.vector_load %arg7[%get3A_305] {strides = array<i32>} : memref<16384xi32, #tpu.memory_space<vmem>>, vector<16xi32>,
      %get3A_307 = arith.index_cast %add3A_302 : i32 to index
      %get3A_308 = tpu.vector_load %arg9[%get3A_307] {strides = array<i32>} : memref<4096xf32, #tpu.memory_space<vmem>>, vector<16xf32>,
      %gather3A_309 = tpu.vector_load_idx %arg6[%get3A_306] : memref<100000xf32, #tpu.memory_space<vmem>>[vector<16xi32>], vector<16xf32>,
      %sub3A_310 = arith.subf %get3A_308, %gather3A_309 : vector<16xf32>
      %mul3A_311 = arith.mulf %sub3A_310, %sub3A_310 : vector<16xf32>
      %add3A_312 = arith.addf %scan3A_217, %mul3A_311 : vector<16xf32>
      %mul3A_313 = arith.constant 16 : i32
      %mul3A_314 = arith.muli %scan3A_211, %mul3A_313 : i32
      %mul3A_315 = arith.constant 8 : i32
      %mul3A_316 = arith.muli %mul3A_314, %mul3A_315 : i32
      %add3A_317 = arith.constant 96 : i32
      %add3A_318 = arith.addi %mul3A_316, %add3A_317 : i32
      %add3A_319 = arith.constant 4096 : i32
      %add3A_320 = arith.addi %add3A_319, %add3A_318 : i32
      %get3A_321 = arith.index_cast %add3A_320 : i32 to index
      %get3A_322 = tpu.vector_load %arg7[%get3A_321] {strides = array<i32>} : memref<16384xi32, #tpu.memory_space<vmem>>, vector<16xi32>,
      %get3A_323 = arith.index_cast %add3A_318 : i32 to index
      %get3A_324 = tpu.vector_load %arg9[%get3A_323] {strides = array<i32>} : memref<4096xf32, #tpu.memory_space<vmem>>, vector<16xf32>,
      %gather3A_325 = tpu.vector_load_idx %arg6[%get3A_322] : memref<100000xf32, #tpu.memory_space<vmem>>[vector<16xi32>], vector<16xf32>,
      %sub3A_326 = arith.subf %get3A_324, %gather3A_325 : vector<16xf32>
      %mul3A_327 = arith.mulf %sub3A_326, %sub3A_326 : vector<16xf32>
      %add3A_328 = arith.addf %scan3A_218, %mul3A_327 : vector<16xf32>
      %mul3A_329 = arith.constant 16 : i32
      %mul3A_330 = arith.muli %scan3A_211, %mul3A_329 : i32
      %mul3A_331 = arith.constant 8 : i32
      %mul3A_332 = arith.muli %mul3A_330, %mul3A_331 : i32
      %add3A_333 = arith.constant 112 : i32
      %add3A_334 = arith.addi %mul3A_332, %add3A_333 : i32
      %add3A_335 = arith.constant 4096 : i32
      %add3A_336 = arith.addi %add3A_335, %add3A_334 : i32
      %get3A_337 = arith.index_cast %add3A_336 : i32 to index
      %get3A_338 = tpu.vector_load %arg7[%get3A_337] {strides = array<i32>} : memref<16384xi32, #tpu.memory_space<vmem>>, vector<16xi32>,
      %get3A_339 = arith.index_cast %add3A_334 : i32 to index
      %get3A_340 = tpu.vector_load %arg9[%get3A_339] {strides = array<i32>} : memref<4096xf32, #tpu.memory_space<vmem>>, vector<16xf32>,
      %gather3A_341 = tpu.vector_load_idx %arg6[%get3A_338] : memref<100000xf32, #tpu.memory_space<vmem>>[vector<16xi32>], vector<16xf32>,
      %sub3A_342 = arith.subf %get3A_340, %gather3A_341 : vector<16xf32>
      %mul3A_343 = arith.mulf %sub3A_342, %sub3A_342 : vector<16xf32>
      %add3A_344 = arith.addf %scan3A_219, %mul3A_343 : vector<16xf32>
      scf.yield %add3A_232, %add3A_248, %add3A_264, %add3A_280, %add3A_296, %add3A_312, %add3A_328, %add3A_344 : vector<16xf32>, vector<16xf32>, vector<16xf32>, vector<16xf32>, vector<16xf32>, vector<16xf32>, vector<16xf32>, vector<16xf32>
    }
    %scan3A_170 = arith.constant 32 : i32
    %add3A_171 = arith.constant 1 : i32
    %add3A_172 = arith.addi %mul3A_2, %add3A_171 : i32
    %dma_start3A_173 = arith.constant 12288 : i32
    %dma_start3A_174 = tpu.memref_slice %arg2[%add3A_172, %dma_start3A_173] : memref<64x16384xf32, #tpu.memory_space<hbm>> -> memref<1x4096xf32, #tpu.memory_space<hbm>>
    %dma_start3A_175 = tpu.memref_squeeze %dma_start3A_174 : memref<1x4096xf32, #tpu.memory_space<hbm>> -> memref<4096xf32, #tpu.memory_space<hbm>>
    %dma_start3A_176 = arith.constant 12288 : i32
    %dma_start3A_177 = tpu.memref_slice %arg2[%add3A_172, %dma_start3A_176] : memref<64x16384xf32, #tpu.memory_space<hbm>> -> memref<1x4096xf32, #tpu.memory_space<hbm>>
    %dma_start3A_178 = tpu.memref_squeeze %dma_start3A_177 : memref<1x4096xf32, #tpu.memory_space<hbm>> -> memref<4096xf32, #tpu.memory_space<hbm>>
    tpu.enqueue_dma source(%dma_start3A_178 : memref<4096xf32, #tpu.memory_space<hbm>>) target(%arg9 : memref<4096xf32, #tpu.memory_space<vmem>>) target_semaphore(%arg13 : memref<!tpu.dma_semaphore, #tpu.memory_space<semaphore_mem>>)
    %dma_wait3A_179 = arith.constant 8192 : i32
    %dma_wait3A_180 = tpu.memref_slice %arg2[%add3A_152, %dma_wait3A_179] : memref<64x16384xf32, #tpu.memory_space<hbm>> -> memref<1x4096xf32, #tpu.memory_space<hbm>>
    %dma_wait3A_181 = tpu.memref_squeeze %dma_wait3A_180 : memref<1x4096xf32, #tpu.memory_space<hbm>> -> memref<4096xf32, #tpu.memory_space<hbm>>
    %dma_wait3A_182 = arith.constant 8192 : i32
    %dma_wait3A_183 = tpu.memref_slice %arg2[%add3A_152, %dma_wait3A_182] : memref<64x16384xf32, #tpu.memory_space<hbm>> -> memref<1x4096xf32, #tpu.memory_space<hbm>>
    %dma_wait3A_184 = tpu.memref_squeeze %dma_wait3A_183 : memref<1x4096xf32, #tpu.memory_space<hbm>> -> memref<4096xf32, #tpu.memory_space<hbm>>
    tpu.wait_dma2 semaphore(%arg12 : memref<!tpu.dma_semaphore, #tpu.memory_space<semaphore_mem>>) src(%dma_wait3A_184 : memref<4096xf32, #tpu.memory_space<hbm>>) dst(%arg8 : memref<4096xf32, #tpu.memory_space<vmem>>)
    %scan3A_185 = arith.constant 0 : i32
    %scan3A_186 = arith.constant 32 : i32
    %scan3A_187 = arith.addi %scan3A_185, %scan3A_186 : i32
    %scan3A_188 = arith.constant 1 : i32
    %scan3A_189:8 = scf.for %scan3A_211 = %scan3A_185 to %scan3A_187 step %scan3A_188 iter_args(%scan3A_212 = %scan3A_169#0, %scan3A_213 = %scan3A_169#1, %scan3A_214 = %scan3A_169#2, %scan3A_215 = %scan3A_169#3, %scan3A_216 = %scan3A_169#4, %scan3A_217 = %scan3A_169#5, %scan3A_218 = %scan3A_169#6, %scan3A_219 = %scan3A_169#7) -> (vector<16xf32>, vector<16xf32>, vector<16xf32>, vector<16xf32>, vector<16xf32>, vector<16xf32>, vector<16xf32>, vector<16xf32>)  : i32 {
      %mul3A_220 = arith.constant 16 : i32
      %mul3A_221 = arith.muli %scan3A_211, %mul3A_220 : i32
      %mul3A_222 = arith.constant 8 : i32
      %mul3A_223 = arith.muli %mul3A_221, %mul3A_222 : i32
      %add3A_224 = arith.constant 0 : i32
      %add3A_225 = arith.addi %mul3A_223, %add3A_224 : i32
      %add3A_226 = arith.constant 8192 : i32
      %add3A_227 = arith.addi %add3A_226, %add3A_225 : i32
      %get3A = arith.index_cast %add3A_227 : i32 to index
      %get3A_228 = tpu.vector_load %arg7[%get3A] {strides = array<i32>} : memref<16384xi32, #tpu.memory_space<vmem>>, vector<16xi32>,
      %get3A_229 = arith.index_cast %add3A_225 : i32 to index
      %get3A_230 = tpu.vector_load %arg8[%get3A_229] {strides = array<i32>} : memref<4096xf32, #tpu.memory_space<vmem>>, vector<16xf32>,
      %gather3A = tpu.vector_load_idx %arg6[%get3A_228] : memref<100000xf32, #tpu.memory_space<vmem>>[vector<16xi32>], vector<16xf32>,
      %sub3A = arith.subf %get3A_230, %gather3A : vector<16xf32>
      %mul3A_231 = arith.mulf %sub3A, %sub3A : vector<16xf32>
      %add3A_232 = arith.addf %scan3A_212, %mul3A_231 : vector<16xf32>
      %mul3A_233 = arith.constant 16 : i32
      %mul3A_234 = arith.muli %scan3A_211, %mul3A_233 : i32
      %mul3A_235 = arith.constant 8 : i32
      %mul3A_236 = arith.muli %mul3A_234, %mul3A_235 : i32
      %add3A_237 = arith.constant 16 : i32
      %add3A_238 = arith.addi %mul3A_236, %add3A_237 : i32
      %add3A_239 = arith.constant 8192 : i32
      %add3A_240 = arith.addi %add3A_239, %add3A_238 : i32
      %get3A_241 = arith.index_cast %add3A_240 : i32 to index
      %get3A_242 = tpu.vector_load %arg7[%get3A_241] {strides = array<i32>} : memref<16384xi32, #tpu.memory_space<vmem>>, vector<16xi32>,
      %get3A_243 = arith.index_cast %add3A_238 : i32 to index
      %get3A_244 = tpu.vector_load %arg8[%get3A_243] {strides = array<i32>} : memref<4096xf32, #tpu.memory_space<vmem>>, vector<16xf32>,
      %gather3A_245 = tpu.vector_load_idx %arg6[%get3A_242] : memref<100000xf32, #tpu.memory_space<vmem>>[vector<16xi32>], vector<16xf32>,
      %sub3A_246 = arith.subf %get3A_244, %gather3A_245 : vector<16xf32>
      %mul3A_247 = arith.mulf %sub3A_246, %sub3A_246 : vector<16xf32>
      %add3A_248 = arith.addf %scan3A_213, %mul3A_247 : vector<16xf32>
      %mul3A_249 = arith.constant 16 : i32
      %mul3A_250 = arith.muli %scan3A_211, %mul3A_249 : i32
      %mul3A_251 = arith.constant 8 : i32
      %mul3A_252 = arith.muli %mul3A_250, %mul3A_251 : i32
      %add3A_253 = arith.constant 32 : i32
      %add3A_254 = arith.addi %mul3A_252, %add3A_253 : i32
      %add3A_255 = arith.constant 8192 : i32
      %add3A_256 = arith.addi %add3A_255, %add3A_254 : i32
      %get3A_257 = arith.index_cast %add3A_256 : i32 to index
      %get3A_258 = tpu.vector_load %arg7[%get3A_257] {strides = array<i32>} : memref<16384xi32, #tpu.memory_space<vmem>>, vector<16xi32>,
      %get3A_259 = arith.index_cast %add3A_254 : i32 to index
      %get3A_260 = tpu.vector_load %arg8[%get3A_259] {strides = array<i32>} : memref<4096xf32, #tpu.memory_space<vmem>>, vector<16xf32>,
      %gather3A_261 = tpu.vector_load_idx %arg6[%get3A_258] : memref<100000xf32, #tpu.memory_space<vmem>>[vector<16xi32>], vector<16xf32>,
      %sub3A_262 = arith.subf %get3A_260, %gather3A_261 : vector<16xf32>
      %mul3A_263 = arith.mulf %sub3A_262, %sub3A_262 : vector<16xf32>
      %add3A_264 = arith.addf %scan3A_214, %mul3A_263 : vector<16xf32>
      %mul3A_265 = arith.constant 16 : i32
      %mul3A_266 = arith.muli %scan3A_211, %mul3A_265 : i32
      %mul3A_267 = arith.constant 8 : i32
      %mul3A_268 = arith.muli %mul3A_266, %mul3A_267 : i32
      %add3A_269 = arith.constant 48 : i32
      %add3A_270 = arith.addi %mul3A_268, %add3A_269 : i32
      %add3A_271 = arith.constant 8192 : i32
      %add3A_272 = arith.addi %add3A_271, %add3A_270 : i32
      %get3A_273 = arith.index_cast %add3A_272 : i32 to index
      %get3A_274 = tpu.vector_load %arg7[%get3A_273] {strides = array<i32>} : memref<16384xi32, #tpu.memory_space<vmem>>, vector<16xi32>,
      %get3A_275 = arith.index_cast %add3A_270 : i32 to index
      %get3A_276 = tpu.vector_load %arg8[%get3A_275] {strides = array<i32>} : memref<4096xf32, #tpu.memory_space<vmem>>, vector<16xf32>,
      %gather3A_277 = tpu.vector_load_idx %arg6[%get3A_274] : memref<100000xf32, #tpu.memory_space<vmem>>[vector<16xi32>], vector<16xf32>,
      %sub3A_278 = arith.subf %get3A_276, %gather3A_277 : vector<16xf32>
      %mul3A_279 = arith.mulf %sub3A_278, %sub3A_278 : vector<16xf32>
      %add3A_280 = arith.addf %scan3A_215, %mul3A_279 : vector<16xf32>
      %mul3A_281 = arith.constant 16 : i32
      %mul3A_282 = arith.muli %scan3A_211, %mul3A_281 : i32
      %mul3A_283 = arith.constant 8 : i32
      %mul3A_284 = arith.muli %mul3A_282, %mul3A_283 : i32
      %add3A_285 = arith.constant 64 : i32
      %add3A_286 = arith.addi %mul3A_284, %add3A_285 : i32
      %add3A_287 = arith.constant 8192 : i32
      %add3A_288 = arith.addi %add3A_287, %add3A_286 : i32
      %get3A_289 = arith.index_cast %add3A_288 : i32 to index
      %get3A_290 = tpu.vector_load %arg7[%get3A_289] {strides = array<i32>} : memref<16384xi32, #tpu.memory_space<vmem>>, vector<16xi32>,
      %get3A_291 = arith.index_cast %add3A_286 : i32 to index
      %get3A_292 = tpu.vector_load %arg8[%get3A_291] {strides = array<i32>} : memref<4096xf32, #tpu.memory_space<vmem>>, vector<16xf32>,
      %gather3A_293 = tpu.vector_load_idx %arg6[%get3A_290] : memref<100000xf32, #tpu.memory_space<vmem>>[vector<16xi32>], vector<16xf32>,
      %sub3A_294 = arith.subf %get3A_292, %gather3A_293 : vector<16xf32>
      %mul3A_295 = arith.mulf %sub3A_294, %sub3A_294 : vector<16xf32>
      %add3A_296 = arith.addf %scan3A_216, %mul3A_295 : vector<16xf32>
      %mul3A_297 = arith.constant 16 : i32
      %mul3A_298 = arith.muli %scan3A_211, %mul3A_297 : i32
      %mul3A_299 = arith.constant 8 : i32
      %mul3A_300 = arith.muli %mul3A_298, %mul3A_299 : i32
      %add3A_301 = arith.constant 80 : i32
      %add3A_302 = arith.addi %mul3A_300, %add3A_301 : i32
      %add3A_303 = arith.constant 8192 : i32
      %add3A_304 = arith.addi %add3A_303, %add3A_302 : i32
      %get3A_305 = arith.index_cast %add3A_304 : i32 to index
      %get3A_306 = tpu.vector_load %arg7[%get3A_305] {strides = array<i32>} : memref<16384xi32, #tpu.memory_space<vmem>>, vector<16xi32>,
      %get3A_307 = arith.index_cast %add3A_302 : i32 to index
      %get3A_308 = tpu.vector_load %arg8[%get3A_307] {strides = array<i32>} : memref<4096xf32, #tpu.memory_space<vmem>>, vector<16xf32>,
      %gather3A_309 = tpu.vector_load_idx %arg6[%get3A_306] : memref<100000xf32, #tpu.memory_space<vmem>>[vector<16xi32>], vector<16xf32>,
      %sub3A_310 = arith.subf %get3A_308, %gather3A_309 : vector<16xf32>
      %mul3A_311 = arith.mulf %sub3A_310, %sub3A_310 : vector<16xf32>
      %add3A_312 = arith.addf %scan3A_217, %mul3A_311 : vector<16xf32>
      %mul3A_313 = arith.constant 16 : i32
      %mul3A_314 = arith.muli %scan3A_211, %mul3A_313 : i32
      %mul3A_315 = arith.constant 8 : i32
      %mul3A_316 = arith.muli %mul3A_314, %mul3A_315 : i32
      %add3A_317 = arith.constant 96 : i32
      %add3A_318 = arith.addi %mul3A_316, %add3A_317 : i32
      %add3A_319 = arith.constant 8192 : i32
      %add3A_320 = arith.addi %add3A_319, %add3A_318 : i32
      %get3A_321 = arith.index_cast %add3A_320 : i32 to index
      %get3A_322 = tpu.vector_load %arg7[%get3A_321] {strides = array<i32>} : memref<16384xi32, #tpu.memory_space<vmem>>, vector<16xi32>,
      %get3A_323 = arith.index_cast %add3A_318 : i32 to index
      %get3A_324 = tpu.vector_load %arg8[%get3A_323] {strides = array<i32>} : memref<4096xf32, #tpu.memory_space<vmem>>, vector<16xf32>,
      %gather3A_325 = tpu.vector_load_idx %arg6[%get3A_322] : memref<100000xf32, #tpu.memory_space<vmem>>[vector<16xi32>], vector<16xf32>,
      %sub3A_326 = arith.subf %get3A_324, %gather3A_325 : vector<16xf32>
      %mul3A_327 = arith.mulf %sub3A_326, %sub3A_326 : vector<16xf32>
      %add3A_328 = arith.addf %scan3A_218, %mul3A_327 : vector<16xf32>
      %mul3A_329 = arith.constant 16 : i32
      %mul3A_330 = arith.muli %scan3A_211, %mul3A_329 : i32
      %mul3A_331 = arith.constant 8 : i32
      %mul3A_332 = arith.muli %mul3A_330, %mul3A_331 : i32
      %add3A_333 = arith.constant 112 : i32
      %add3A_334 = arith.addi %mul3A_332, %add3A_333 : i32
      %add3A_335 = arith.constant 8192 : i32
      %add3A_336 = arith.addi %add3A_335, %add3A_334 : i32
      %get3A_337 = arith.index_cast %add3A_336 : i32 to index
      %get3A_338 = tpu.vector_load %arg7[%get3A_337] {strides = array<i32>} : memref<16384xi32, #tpu.memory_space<vmem>>, vector<16xi32>,
      %get3A_339 = arith.index_cast %add3A_334 : i32 to index
      %get3A_340 = tpu.vector_load %arg8[%get3A_339] {strides = array<i32>} : memref<4096xf32, #tpu.memory_space<vmem>>, vector<16xf32>,
      %gather3A_341 = tpu.vector_load_idx %arg6[%get3A_338] : memref<100000xf32, #tpu.memory_space<vmem>>[vector<16xi32>], vector<16xf32>,
      %sub3A_342 = arith.subf %get3A_340, %gather3A_341 : vector<16xf32>
      %mul3A_343 = arith.mulf %sub3A_342, %sub3A_342 : vector<16xf32>
      %add3A_344 = arith.addf %scan3A_219, %mul3A_343 : vector<16xf32>
      scf.yield %add3A_232, %add3A_248, %add3A_264, %add3A_280, %add3A_296, %add3A_312, %add3A_328, %add3A_344 : vector<16xf32>, vector<16xf32>, vector<16xf32>, vector<16xf32>, vector<16xf32>, vector<16xf32>, vector<16xf32>, vector<16xf32>
    }
    %scan3A_190 = arith.constant 32 : i32
    %dma_wait3A_191 = arith.constant 12288 : i32
    %dma_wait3A_192 = tpu.memref_slice %arg2[%add3A_172, %dma_wait3A_191] : memref<64x16384xf32, #tpu.memory_space<hbm>> -> memref<1x4096xf32, #tpu.memory_space<hbm>>
    %dma_wait3A_193 = tpu.memref_squeeze %dma_wait3A_192 : memref<1x4096xf32, #tpu.memory_space<hbm>> -> memref<4096xf32, #tpu.memory_space<hbm>>
    %dma_wait3A_194 = arith.constant 12288 : i32
    %dma_wait3A_195 = tpu.memref_slice %arg2[%add3A_172, %dma_wait3A_194] : memref<64x16384xf32, #tpu.memory_space<hbm>> -> memref<1x4096xf32, #tpu.memory_space<hbm>>
    %dma_wait3A_196 = tpu.memref_squeeze %dma_wait3A_195 : memref<1x4096xf32, #tpu.memory_space<hbm>> -> memref<4096xf32, #tpu.memory_space<hbm>>
    tpu.wait_dma2 semaphore(%arg13 : memref<!tpu.dma_semaphore, #tpu.memory_space<semaphore_mem>>) src(%dma_wait3A_196 : memref<4096xf32, #tpu.memory_space<hbm>>) dst(%arg9 : memref<4096xf32, #tpu.memory_space<vmem>>)
    %scan3A_197 = arith.constant 0 : i32
    %scan3A_198 = arith.constant 32 : i32
    %scan3A_199 = arith.addi %scan3A_197, %scan3A_198 : i32
    %scan3A_200 = arith.constant 1 : i32
    %scan3A_201:8 = scf.for %scan3A_211 = %scan3A_197 to %scan3A_199 step %scan3A_200 iter_args(%scan3A_212 = %scan3A_189#0, %scan3A_213 = %scan3A_189#1, %scan3A_214 = %scan3A_189#2, %scan3A_215 = %scan3A_189#3, %scan3A_216 = %scan3A_189#4, %scan3A_217 = %scan3A_189#5, %scan3A_218 = %scan3A_189#6, %scan3A_219 = %scan3A_189#7) -> (vector<16xf32>, vector<16xf32>, vector<16xf32>, vector<16xf32>, vector<16xf32>, vector<16xf32>, vector<16xf32>, vector<16xf32>)  : i32 {
      %mul3A_220 = arith.constant 16 : i32
      %mul3A_221 = arith.muli %scan3A_211, %mul3A_220 : i32
      %mul3A_222 = arith.constant 8 : i32
      %mul3A_223 = arith.muli %mul3A_221, %mul3A_222 : i32
      %add3A_224 = arith.constant 0 : i32
      %add3A_225 = arith.addi %mul3A_223, %add3A_224 : i32
      %add3A_226 = arith.constant 12288 : i32
      %add3A_227 = arith.addi %add3A_226, %add3A_225 : i32
      %get3A = arith.index_cast %add3A_227 : i32 to index
      %get3A_228 = tpu.vector_load %arg7[%get3A] {strides = array<i32>} : memref<16384xi32, #tpu.memory_space<vmem>>, vector<16xi32>,
      %get3A_229 = arith.index_cast %add3A_225 : i32 to index
      %get3A_230 = tpu.vector_load %arg9[%get3A_229] {strides = array<i32>} : memref<4096xf32, #tpu.memory_space<vmem>>, vector<16xf32>,
      %gather3A = tpu.vector_load_idx %arg6[%get3A_228] : memref<100000xf32, #tpu.memory_space<vmem>>[vector<16xi32>], vector<16xf32>,
      %sub3A = arith.subf %get3A_230, %gather3A : vector<16xf32>
      %mul3A_231 = arith.mulf %sub3A, %sub3A : vector<16xf32>
      %add3A_232 = arith.addf %scan3A_212, %mul3A_231 : vector<16xf32>
      %mul3A_233 = arith.constant 16 : i32
      %mul3A_234 = arith.muli %scan3A_211, %mul3A_233 : i32
      %mul3A_235 = arith.constant 8 : i32
      %mul3A_236 = arith.muli %mul3A_234, %mul3A_235 : i32
      %add3A_237 = arith.constant 16 : i32
      %add3A_238 = arith.addi %mul3A_236, %add3A_237 : i32
      %add3A_239 = arith.constant 12288 : i32
      %add3A_240 = arith.addi %add3A_239, %add3A_238 : i32
      %get3A_241 = arith.index_cast %add3A_240 : i32 to index
      %get3A_242 = tpu.vector_load %arg7[%get3A_241] {strides = array<i32>} : memref<16384xi32, #tpu.memory_space<vmem>>, vector<16xi32>,
      %get3A_243 = arith.index_cast %add3A_238 : i32 to index
      %get3A_244 = tpu.vector_load %arg9[%get3A_243] {strides = array<i32>} : memref<4096xf32, #tpu.memory_space<vmem>>, vector<16xf32>,
      %gather3A_245 = tpu.vector_load_idx %arg6[%get3A_242] : memref<100000xf32, #tpu.memory_space<vmem>>[vector<16xi32>], vector<16xf32>,
      %sub3A_246 = arith.subf %get3A_244, %gather3A_245 : vector<16xf32>
      %mul3A_247 = arith.mulf %sub3A_246, %sub3A_246 : vector<16xf32>
      %add3A_248 = arith.addf %scan3A_213, %mul3A_247 : vector<16xf32>
      %mul3A_249 = arith.constant 16 : i32
      %mul3A_250 = arith.muli %scan3A_211, %mul3A_249 : i32
      %mul3A_251 = arith.constant 8 : i32
      %mul3A_252 = arith.muli %mul3A_250, %mul3A_251 : i32
      %add3A_253 = arith.constant 32 : i32
      %add3A_254 = arith.addi %mul3A_252, %add3A_253 : i32
      %add3A_255 = arith.constant 12288 : i32
      %add3A_256 = arith.addi %add3A_255, %add3A_254 : i32
      %get3A_257 = arith.index_cast %add3A_256 : i32 to index
      %get3A_258 = tpu.vector_load %arg7[%get3A_257] {strides = array<i32>} : memref<16384xi32, #tpu.memory_space<vmem>>, vector<16xi32>,
      %get3A_259 = arith.index_cast %add3A_254 : i32 to index
      %get3A_260 = tpu.vector_load %arg9[%get3A_259] {strides = array<i32>} : memref<4096xf32, #tpu.memory_space<vmem>>, vector<16xf32>,
      %gather3A_261 = tpu.vector_load_idx %arg6[%get3A_258] : memref<100000xf32, #tpu.memory_space<vmem>>[vector<16xi32>], vector<16xf32>,
      %sub3A_262 = arith.subf %get3A_260, %gather3A_261 : vector<16xf32>
      %mul3A_263 = arith.mulf %sub3A_262, %sub3A_262 : vector<16xf32>
      %add3A_264 = arith.addf %scan3A_214, %mul3A_263 : vector<16xf32>
      %mul3A_265 = arith.constant 16 : i32
      %mul3A_266 = arith.muli %scan3A_211, %mul3A_265 : i32
      %mul3A_267 = arith.constant 8 : i32
      %mul3A_268 = arith.muli %mul3A_266, %mul3A_267 : i32
      %add3A_269 = arith.constant 48 : i32
      %add3A_270 = arith.addi %mul3A_268, %add3A_269 : i32
      %add3A_271 = arith.constant 12288 : i32
      %add3A_272 = arith.addi %add3A_271, %add3A_270 : i32
      %get3A_273 = arith.index_cast %add3A_272 : i32 to index
      %get3A_274 = tpu.vector_load %arg7[%get3A_273] {strides = array<i32>} : memref<16384xi32, #tpu.memory_space<vmem>>, vector<16xi32>,
      %get3A_275 = arith.index_cast %add3A_270 : i32 to index
      %get3A_276 = tpu.vector_load %arg9[%get3A_275] {strides = array<i32>} : memref<4096xf32, #tpu.memory_space<vmem>>, vector<16xf32>,
      %gather3A_277 = tpu.vector_load_idx %arg6[%get3A_274] : memref<100000xf32, #tpu.memory_space<vmem>>[vector<16xi32>], vector<16xf32>,
      %sub3A_278 = arith.subf %get3A_276, %gather3A_277 : vector<16xf32>
      %mul3A_279 = arith.mulf %sub3A_278, %sub3A_278 : vector<16xf32>
      %add3A_280 = arith.addf %scan3A_215, %mul3A_279 : vector<16xf32>
      %mul3A_281 = arith.constant 16 : i32
      %mul3A_282 = arith.muli %scan3A_211, %mul3A_281 : i32
      %mul3A_283 = arith.constant 8 : i32
      %mul3A_284 = arith.muli %mul3A_282, %mul3A_283 : i32
      %add3A_285 = arith.constant 64 : i32
      %add3A_286 = arith.addi %mul3A_284, %add3A_285 : i32
      %add3A_287 = arith.constant 12288 : i32
      %add3A_288 = arith.addi %add3A_287, %add3A_286 : i32
      %get3A_289 = arith.index_cast %add3A_288 : i32 to index
      %get3A_290 = tpu.vector_load %arg7[%get3A_289] {strides = array<i32>} : memref<16384xi32, #tpu.memory_space<vmem>>, vector<16xi32>,
      %get3A_291 = arith.index_cast %add3A_286 : i32 to index
      %get3A_292 = tpu.vector_load %arg9[%get3A_291] {strides = array<i32>} : memref<4096xf32, #tpu.memory_space<vmem>>, vector<16xf32>,
      %gather3A_293 = tpu.vector_load_idx %arg6[%get3A_290] : memref<100000xf32, #tpu.memory_space<vmem>>[vector<16xi32>], vector<16xf32>,
      %sub3A_294 = arith.subf %get3A_292, %gather3A_293 : vector<16xf32>
      %mul3A_295 = arith.mulf %sub3A_294, %sub3A_294 : vector<16xf32>
      %add3A_296 = arith.addf %scan3A_216, %mul3A_295 : vector<16xf32>
      %mul3A_297 = arith.constant 16 : i32
      %mul3A_298 = arith.muli %scan3A_211, %mul3A_297 : i32
      %mul3A_299 = arith.constant 8 : i32
      %mul3A_300 = arith.muli %mul3A_298, %mul3A_299 : i32
      %add3A_301 = arith.constant 80 : i32
      %add3A_302 = arith.addi %mul3A_300, %add3A_301 : i32
      %add3A_303 = arith.constant 12288 : i32
      %add3A_304 = arith.addi %add3A_303, %add3A_302 : i32
      %get3A_305 = arith.index_cast %add3A_304 : i32 to index
      %get3A_306 = tpu.vector_load %arg7[%get3A_305] {strides = array<i32>} : memref<16384xi32, #tpu.memory_space<vmem>>, vector<16xi32>,
      %get3A_307 = arith.index_cast %add3A_302 : i32 to index
      %get3A_308 = tpu.vector_load %arg9[%get3A_307] {strides = array<i32>} : memref<4096xf32, #tpu.memory_space<vmem>>, vector<16xf32>,
      %gather3A_309 = tpu.vector_load_idx %arg6[%get3A_306] : memref<100000xf32, #tpu.memory_space<vmem>>[vector<16xi32>], vector<16xf32>,
      %sub3A_310 = arith.subf %get3A_308, %gather3A_309 : vector<16xf32>
      %mul3A_311 = arith.mulf %sub3A_310, %sub3A_310 : vector<16xf32>
      %add3A_312 = arith.addf %scan3A_217, %mul3A_311 : vector<16xf32>
      %mul3A_313 = arith.constant 16 : i32
      %mul3A_314 = arith.muli %scan3A_211, %mul3A_313 : i32
      %mul3A_315 = arith.constant 8 : i32
      %mul3A_316 = arith.muli %mul3A_314, %mul3A_315 : i32
      %add3A_317 = arith.constant 96 : i32
      %add3A_318 = arith.addi %mul3A_316, %add3A_317 : i32
      %add3A_319 = arith.constant 12288 : i32
      %add3A_320 = arith.addi %add3A_319, %add3A_318 : i32
      %get3A_321 = arith.index_cast %add3A_320 : i32 to index
      %get3A_322 = tpu.vector_load %arg7[%get3A_321] {strides = array<i32>} : memref<16384xi32, #tpu.memory_space<vmem>>, vector<16xi32>,
      %get3A_323 = arith.index_cast %add3A_318 : i32 to index
      %get3A_324 = tpu.vector_load %arg9[%get3A_323] {strides = array<i32>} : memref<4096xf32, #tpu.memory_space<vmem>>, vector<16xf32>,
      %gather3A_325 = tpu.vector_load_idx %arg6[%get3A_322] : memref<100000xf32, #tpu.memory_space<vmem>>[vector<16xi32>], vector<16xf32>,
      %sub3A_326 = arith.subf %get3A_324, %gather3A_325 : vector<16xf32>
      %mul3A_327 = arith.mulf %sub3A_326, %sub3A_326 : vector<16xf32>
      %add3A_328 = arith.addf %scan3A_218, %mul3A_327 : vector<16xf32>
      %mul3A_329 = arith.constant 16 : i32
      %mul3A_330 = arith.muli %scan3A_211, %mul3A_329 : i32
      %mul3A_331 = arith.constant 8 : i32
      %mul3A_332 = arith.muli %mul3A_330, %mul3A_331 : i32
      %add3A_333 = arith.constant 112 : i32
      %add3A_334 = arith.addi %mul3A_332, %add3A_333 : i32
      %add3A_335 = arith.constant 12288 : i32
      %add3A_336 = arith.addi %add3A_335, %add3A_334 : i32
      %get3A_337 = arith.index_cast %add3A_336 : i32 to index
      %get3A_338 = tpu.vector_load %arg7[%get3A_337] {strides = array<i32>} : memref<16384xi32, #tpu.memory_space<vmem>>, vector<16xi32>,
      %get3A_339 = arith.index_cast %add3A_334 : i32 to index
      %get3A_340 = tpu.vector_load %arg9[%get3A_339] {strides = array<i32>} : memref<4096xf32, #tpu.memory_space<vmem>>, vector<16xf32>,
      %gather3A_341 = tpu.vector_load_idx %arg6[%get3A_338] : memref<100000xf32, #tpu.memory_space<vmem>>[vector<16xi32>], vector<16xf32>,
      %sub3A_342 = arith.subf %get3A_340, %gather3A_341 : vector<16xf32>
      %mul3A_343 = arith.mulf %sub3A_342, %sub3A_342 : vector<16xf32>
      %add3A_344 = arith.addf %scan3A_219, %mul3A_343 : vector<16xf32>
      scf.yield %add3A_232, %add3A_248, %add3A_264, %add3A_280, %add3A_296, %add3A_312, %add3A_328, %add3A_344 : vector<16xf32>, vector<16xf32>, vector<16xf32>, vector<16xf32>, vector<16xf32>, vector<16xf32>, vector<16xf32>, vector<16xf32>
    }
    %scan3A_202 = arith.constant 32 : i32
    %add3A_203 = arith.addf %scan3A_201#0, %scan3A_201#1 : vector<16xf32>
    %add3A_204 = arith.addf %add3A_203, %scan3A_201#2 : vector<16xf32>
    %add3A_205 = arith.addf %add3A_204, %scan3A_201#3 : vector<16xf32>
    %add3A_206 = arith.addf %add3A_205, %scan3A_201#4 : vector<16xf32>
    %add3A_207 = arith.addf %add3A_206, %scan3A_201#5 : vector<16xf32>
    %add3A_208 = arith.addf %add3A_207, %scan3A_201#6 : vector<16xf32>
    %add3A_209 = arith.addf %add3A_208, %scan3A_201#7 : vector<16xf32>
    %swap3A = arith.constant 0 : index
    %swap3A_210 = tpu.vector_load %arg10[%swap3A] {strides = array<i32>} : memref<16xf32, #tpu.memory_space<vmem>>, vector<16xf32>,
    tpu.vector_store %arg10[%swap3A], %add3A_209 {strides = array<i32>} : memref<16xf32, #tpu.memory_space<vmem>>, vector<16xf32>,
    "tpu.region"() ({
      %run_scoped3A = tpu.sem_alloc : memref<!tpu.dma_semaphore, #tpu.memory_space<semaphore_mem>>
      %dma_start3A_211 = arith.constant 0 : i32
      %dma_start3A_212 = tpu.memref_slice %arg5[%add3A, %dma_start3A_211] : memref<32x16xf32, #tpu.memory_space<hbm>> -> memref<1x16xf32, #tpu.memory_space<hbm>>
      %dma_start3A_213 = tpu.memref_squeeze %dma_start3A_212 : memref<1x16xf32, #tpu.memory_space<hbm>> -> memref<16xf32, #tpu.memory_space<hbm>>
      %dma_start3A_214 = arith.constant 0 : i32
      %dma_start3A_215 = tpu.memref_slice %arg5[%add3A, %dma_start3A_214] : memref<32x16xf32, #tpu.memory_space<hbm>> -> memref<1x16xf32, #tpu.memory_space<hbm>>
      %dma_start3A_216 = tpu.memref_squeeze %dma_start3A_215 : memref<1x16xf32, #tpu.memory_space<hbm>> -> memref<16xf32, #tpu.memory_space<hbm>>
      tpu.enqueue_dma source(%arg10 : memref<16xf32, #tpu.memory_space<vmem>>) target(%dma_start3A_216 : memref<16xf32, #tpu.memory_space<hbm>>) target_semaphore(%run_scoped3A : memref<!tpu.dma_semaphore, #tpu.memory_space<semaphore_mem>>)
      %dma_wait3A_217 = arith.constant 0 : i32
      %dma_wait3A_218 = tpu.memref_slice %arg5[%add3A, %dma_wait3A_217] : memref<32x16xf32, #tpu.memory_space<hbm>> -> memref<1x16xf32, #tpu.memory_space<hbm>>
      %dma_wait3A_219 = tpu.memref_squeeze %dma_wait3A_218 : memref<1x16xf32, #tpu.memory_space<hbm>> -> memref<16xf32, #tpu.memory_space<hbm>>
      %dma_wait3A_220 = arith.constant 0 : i32
      %dma_wait3A_221 = tpu.memref_slice %arg5[%add3A, %dma_wait3A_220] : memref<32x16xf32, #tpu.memory_space<hbm>> -> memref<1x16xf32, #tpu.memory_space<hbm>>
      %dma_wait3A_222 = tpu.memref_squeeze %dma_wait3A_221 : memref<1x16xf32, #tpu.memory_space<hbm>> -> memref<16xf32, #tpu.memory_space<hbm>>
      tpu.wait_dma2 semaphore(%run_scoped3A : memref<!tpu.dma_semaphore, #tpu.memory_space<semaphore_mem>>) src(%arg10 : memref<16xf32, #tpu.memory_space<vmem>>) dst(%dma_wait3A_222 : memref<16xf32, #tpu.memory_space<hbm>>)
      tpu.yield
    }) : () -> ()
    return
  }
}

</mosaic_0001>

<sc_bundles>
// kernel: kernel.3.cloned.1.call-start
scs
__scs_entry_jumppad:
0x0: {  	(pc) =	sbr.rel $0x88, $3  }
0x1: {  	(tag) =	ssettag $0x0;
	lr =	simm.s32 $0x1  }
0x2: {  	[smem:$0x3F9E] =	sst lr;
	_ =	strace $0xD0000000  }
0x3: {  	_ = 	snop  }
0x4: {  	_ = 	snop  }
0x5: {  	_ = 	snop  }
0x6: {  	_ = 	snop  }
0x7: {  	_ = 	snop  }
__scs_overlays_trampoline_lowered:
0x8: {  	[smem:$0x3FAD] =	sst s0  }
0x9: {  	[smem:$0x3FAE] =	sst s1  }
0xa: {  	[smem:$0x3FAF] =	sst s2  }
0xb: {  	[smem:$0x3FB0] =	sst s3  }
0xc: {  	[smem:$0x3FB1] =	sst s4  }
0xd: {  	[smem:$0x3FB2] =	sst s5  }
0xe: {  	[smem:$0x3FB3] =	sst s6  }
0xf: {  	[smem:$0x3FB4] =	sst s7  }
0x10: {  	[smem:$0x3FB5] =	sst s8  }
0x11: {  	[smem:$0x3FB6] =	sst s9;
	s0 =	simm.s32 @!p0 $0x0  }
0x12: {  	s1 =	sld [smem:$0x3F9C];
	s0 =	simm.s32 @p0 $0x1  }
0x13: {  	[smem:$0x3FB7] =	sst s0;
	s0 =	simm.s32 @!p1 $0x0  }
0x14: {  	s2 =	sld [smem:$0x3F9B];
	s0 =	simm.s32 @p1 $0x1  }
0x15: {  	[smem:$0x3FB8] =	sst s0;
	s0 =	simm.s32 @!p2 $0x0  }
0x16: {  	s3 =	sld [smem:$0x3FDB];
	s0 =	simm.s32 @p2 $0x1  }
0x17: {  	s4 =	simm.s32 $0x1BF5;
	[smem:$0x3FBA] =	sst s0  }
0x18: {  	s0 =	sld [smem:$0x3F9D];
	_ =	swait.ge [sflag:s4], $0x0  }
0x19: {  	s7 =	sld [smem:$0x3F9E]  }
0x1a: {  	s8 =	sadd.s32 $0xFFFFE003, lr  }
0x1b: {  	s9 =	sadd.s32 $0xFFFFFEF7, lr;
	s5 =	simm.s32 $0xFFFFFFFF;
	p2 =	slt.u32 s8, $0xFFFFF086  }
0x1c: {  	p1 =	slt.u32 s9, $0xF7A;
	s5 =	simm.s32 @!p2 $0x0  }
0x1d: {  	s5 =	simm.s32 @p1 $0x1;
	p0 =	seq.s32 s7, s2  }
0x1e: {  	s7 =	smul.u32 @!p0 $0xF7A, s2;
	p2 =	seq.s32 @!p0 s5, $0x0  }
0x1f: {  	s9 =	smul.u32 $0xF7A, s1;
	s8 =	simm.s32 @!p0 $0x1BF5;
	p2 =	por !p2, p0  }
0x20: {  	[sflag:s8] =	ssyncset.s32 @!p0 $0xFFFFF086;
	s6 =	sadd.s32 @!p0 s3, s7;
	s7 =	simm.s32 @!p0 $0x108  }
0x21: {  	s3 =	sadd.s32 s3, s9;
	s6 =	sadd.s32 @!p0 $0x88, s6;
	s7 =	simm.s32 @p2 $0x1082  }
0x22: {  	[simem:s7], [sflag:s8] =	dma.local @!p0 [hbm:s6], $0xF7A  }
0x23: {  	s9 =	sor.u32 $0xD0000000, s2;
	s6 =	simm.s32 $0x108;
	_ =	swait.ge @!p0 [sflag:s8], $0x0  }
0x24: {  	s3 =	sadd.s32 $0x88, s3;
	s6 =	simm.s32 @!p1 $0x1082;
	[sflag:s4] =	ssyncset.s32 $0xFFFFF086  }
0x25: {  	[simem:s6], [sflag:s4] =	dma.local [hbm:s3], $0xF7A  }
0x26: {  	[smem:$0x3F9E] =	sst s1;
	(tag) =	ssettag s2;
	_ =	strace s9  }
0x27: {  	s1 =	sld [smem:$0x3FAE]  }
0x28: {  	s2 =	sld [smem:$0x3FAF]  }
0x29: {  	s4 =	sld [smem:$0x3FB1]  }
0x2a: {  	p0 =	seq.s32 s5, $0x0;
	s5 =	sld [smem:$0x3FB2]  }
0x2b: {  	s6 =	sld [smem:$0x3FB3]  }
0x2c: {  	s7 =	sld [smem:$0x3FB4]  }
0x2d: {  	s3 =	simm.s32 $0x108;
	s8 =	sld [smem:$0x3FB5]  }
0x2e: {  	s3 =	simm.s32 @!p0 $0x1082;
	s9 =	sld [smem:$0x3FB6]  }
0x2f: {  	lr =	sadd.s32 s0, s3;
	s0 =	sld [smem:$0x3FAD]  }
0x30: {  	s3 =	sld [smem:$0x3FB0]  }
0x31: {  	[smem:$0x3FB9] =	sst s10  }
0x32: {  	s10 =	sld [smem:$0x3FB7];
	_ =	sdelay $0x3  }
0x33: {  	p0 =	seq.s32 s10, $0x1;
	s10 =	sld [smem:$0x3FB9];
	_ =	sdelay $0x3  }
0x34: {  	[smem:$0x3FB9] =	sst s10  }
0x35: {  	s10 =	sld [smem:$0x3FB8];
	_ =	sdelay $0x3  }
0x36: {  	p1 =	seq.s32 s10, $0x1;
	s10 =	sld [smem:$0x3FB9];
	_ =	sdelay $0x3  }
0x37: {  	[smem:$0x3FB9] =	sst s10  }
0x38: {  	s10 =	sld [smem:$0x3FBA]  }
0x39: {  	_ = 	snop;
	(pc) =	sbr.ind lr, $3  }
0x3a: {  	_ = 	snop  }
0x3b: {  	_ = 	snop  }
0x3c: {  	p2 =	seq.s32 s10, $0x1;
	s10 =	sld [smem:$0x3FB9]  }
0x3d: {  	_ =	shalt  }
0x3e: {  	_ =	shalt  }
0x3f: {  	_ =	shalt  }
0x40: {  	_ =	shalt  }
0x41: {  	_ =	shalt  }
0x42: {  	_ =	shalt  }
0x43: {  	_ =	shalt  }
0x44: {  	_ =	shalt  }
0x45: {  	_ =	shalt  }
0x46: {  	_ =	shalt  }
0x47: {  	_ =	shalt  }
0x48: {  	_ =	shalt  }
0x49: {  	_ =	shalt  }
0x4a: {  	_ =	shalt  }
0x4b: {  	_ =	shalt  }
0x4c: {  	_ =	shalt  }
0x4d: {  	_ =	shalt  }
0x4e: {  	_ =	shalt  }
0x4f: {  	_ =	shalt  }
0x50: {  	_ =	shalt  }
0x51: {  	_ =	shalt  }
0x52: {  	_ =	shalt  }
0x53: {  	_ =	shalt  }
0x54: {  	_ =	shalt  }
0x55: {  	_ =	shalt  }
0x56: {  	_ =	shalt  }
0x57: {  	_ =	shalt  }
0x58: {  	_ =	shalt  }
0x59: {  	_ =	shalt  }
0x5a: {  	_ =	shalt  }
0x5b: {  	_ =	shalt  }
0x5c: {  	_ =	shalt  }
0x5d: {  	_ =	shalt  }
0x5e: {  	_ =	shalt  }
0x5f: {  	_ =	shalt  }
0x60: {  	_ =	shalt  }
0x61: {  	_ =	shalt  }
0x62: {  	_ =	shalt  }
0x63: {  	_ =	shalt  }
0x64: {  	_ =	shalt  }
0x65: {  	_ =	shalt  }
0x66: {  	_ =	shalt  }
0x67: {  	_ =	shalt  }
0x68: {  	_ =	shalt  }
0x69: {  	_ =	shalt  }
0x6a: {  	_ =	shalt  }
0x6b: {  	_ =	shalt  }
0x6c: {  	_ =	shalt  }
0x6d: {  	_ =	shalt  }
0x6e: {  	_ =	shalt  }
0x6f: {  	_ =	shalt  }
0x70: {  	_ =	shalt  }
0x71: {  	_ =	shalt  }
0x72: {  	_ =	shalt  }
0x73: {  	_ =	shalt  }
0x74: {  	_ =	shalt  }
0x75: {  	_ =	shalt  }
0x76: {  	_ =	shalt  }
0x77: {  	_ =	shalt  }
0x78: {  	_ =	shalt  }
0x79: {  	_ =	shalt  }
0x7a: {  	_ =	shalt  }
0x7b: {  	_ =	shalt  }
0x7c: {  	_ =	shalt  }
0x7d: {  	_ =	shalt  }
0x7e: {  	_ =	shalt  }
0x7f: {  	_ =	shalt  }
0x80: {  	_ =	shalt  }
0x81: {  	_ =	shalt  }
0x82: {  	_ =	shalt  }
0x83: {  	_ =	shalt  }
0x84: {  	_ =	shalt  }
0x85: {  	_ =	shalt  }
0x86: {  	_ =	shalt  }
0x87: {  	_ =	shalt  }
.Lfunc_end0:
.L_simem_size_0:
called_computation_lowered:
.L_overlay_start_0:
0x88: {  	s2 =	sld [smem:$0x3FD9]  }
0x89: {  	s3 =	sld [smem:$0x3FFE];
	_ =	sdelay $0x1  }
0x8a: {  	s1 =	srdreg.scid  }
0x8b: {  	s0 =	sand.u32 $0x1, s1  }
0x8c: {  	s17 =	sshll.u32 s0, $0xA;
	s2 =	sadd.s32 s3, s2  }
0x8d: {  	s2 =	sadd.s32 s2, s17  }
0x8e: {  	[smem:$0x3FC5] =	sst s2  }
0x8f: {  	_ = 	snop  }
0x90: {  	s2 =	sld [smem:$0x3FC9]  }
0x91: {  	s18 =	sld [smem:$0x3FC8]  }
0x92: {  	s4 =	sld [smem:$0x3FC7];
	(tm) =	ssettm $0x1  }
0x93: {  	s5 =	sld [smem:$0x3FFB];
	_ =	sdelay $0x3  }
0x94: {  	_ =	strace s5  }
0x95: {  	s5 =	sld [smem:$0x3FFC];
	_ =	sdelay $0x3  }
0x96: {  	_ =	strace s5  }
0x97: {  	s5 =	sld [smem:$0x3FFD];
	_ =	sdelay $0x3  }
0x98: {  	_ =	strace s5  }
0x99: {  	_ =	strace $0x8FFFFFFF  }
0x9a: {  	s19 =	sld [smem:$0x3FDB];
	_ =	sdelay $0x1  }
0x9b: {  	s6 =	simm.s32 $_scs_section_size  }
0x9c: {  	s7 =	simm.s32 $_size__tile_overlayer_lowered;
	s8 =	simm.s32 $_tile_overlayer_lowered  }
0x9d: {  	s22 =	simm.s32 $0x1BFF;
	s21 =	sshll.u32 s8, $0x1;
	s5 =	sadd.s32 s6, s19  }
0x9e: {  	s9 =	simm.s32 $0x0;
	s20 =	sshll.u32 s7, $0x1;
	s7 =	sadd.s32 s21, s5  }
0x9f: {  	[timem:s9], [sflag:s22] =	dma.local [hbm:s7], s20  }
0xa0: {  	_ =	swait.ge [sflag:s22], s20  }
0xa1: {  	s6 =	ssub.s32 $0x0, s20;
	[sflag:s22] =	ssyncset.done $0x0  }
0xa2: {  	[sflag:s22] =	ssyncadd.s32 s6;
	_ =	sdelay $0x1  }
0xa3: {  	s23 =	simm.s32 $0x1B8B  }
0xa4: {  	_ =	swait.ge [sflag:s23], $0x1  }
0xa5: {  	[sflag:s23] =	ssyncset.done $0x0  }
0xa6: {  	s25 =	simm.s32 $0x1B8E;
	s24 =	sld [smem:$0x3FFE];
	[sflag:s23] =	ssyncadd.s32 $0xFFFFFFFF  }
0xa7: {  	s26 =	simm.s32 $execute0_lowered;
	[smem:$0x3FD2] =	sst s25  }
0xa8: {  	s7 =	sshll.u32 s26, $0x1;
	_ =	strace $0x80000046;
	[dreg:$0x1] =	wrdreg $0xFFFFFFFF  }
0xa9: {  	s28 =	simm.s32 $_size_execute0_lowered;
	s5 =	sadd.s32 s5, s7;
	[dreg:$0x0] =	wrdreg $0x0  }
0xaa: {  	s7 =	sshll.u32 s28, $0x1;
	[dreg:$0x2] =	wrdreg s5  }
0xab: {  	[dreg:$0x3] =	wrdreg s7  }
0xac: {  	[dreg:$0x4] =	wrdreg $0xC0  }
0xad: {  	_ =	task [dreg:s9], $0x5FFFF  }
0xae: {  	[dreg:$0x1] =	wrdreg $0xFFFFFFFF  }
0xaf: {  	[dreg:$0x0] =	wrdreg $0x60  }
0xb0: {  	[dreg:$0x2] =	wrdreg s2  }
0xb1: {  	[dreg:$0x3] =	wrdreg s18  }
0xb2: {  	[dreg:$0x4] =	wrdreg s4  }
0xb3: {  	[dreg:$0x5] =	wrdreg s24  }
0xb4: {  	[dreg:$0x6] =	wrdreg $0x9  }
0xb5: {  	_ =	task.clear_ibuf [dreg:s9], $0x7FFFF;
	_ =	strace $0x90000046  }
0xb6: {  	s29 =	simm.s32 $0x9;
	_ =	strace $0x80000048  }
0xb7: {  	_ =	swait.ge [sflag:s29], $0x1  }
0xb8: {  	[sflag:s29] =	ssyncadd.s32 $0xFFFFFFFF  }
0xb9: {  	_ =	strace $0x90000048  }
0xba: {  	_ =	sfence  }
0xbb: {  	s30 =	sld [smem:$0x0];
	_ =	sdelay $0x2  }
0xbc: {  	s31 =	sshll.u32 s1, $0xD;
	s1 =	sshrl.u32 s1, $0x2  }
0xbd: {  	s3 =	sand.u32 $0x4000, s31;
	s1 =	sadd.s32 s1, s30  }
0xbe: {  	s0 =	sor.u32 s3, s0;
	s1 =	sshll.u32 s1, $0x11  }
0xbf: {  	s0 =	sor.u32 s1, s0  }
0xc0: {  	s0 =	sadd.s32 $0x8F2B, s0  }
0xc1: {  	[sflag:s0] =	ssyncadd.remote.s32 $0x1  }
0xc2: {  	_ =	sfence.sel $0xFFFF  }
0xc3: {  	[dreg:$0x0] =	wrdreg $0xFFFFFFFF;
	(pc) =	sbr.abs _section_cstart, $3  }
0xc4: {  	[dreg:$0x1] =	wrdreg $0xFFFFFFFF  }
0xc5: {  	_ =	task.clear_ibuf [dreg:s9], $0x2FFFF;
	_ =	strace $0x9FFFFFFF  }
0xc6: {  	(tm) =	ssettm $0x7FFFFFFF  }
0xc7: {  	_ =	shalt  }
tec
execute0_lowered:
.L_overlay_start_1:
0x0: {  	(tag) =	ssettag $0x1  }
0x1: {  	s9 =	rddreg [dreg:$0x0]  }
0x2: {  	s1 =	rddreg [dreg:$0x1]  }
0x3: {  	s11 =	rddreg [dreg:$0x2]  }
0x4: {  	s14 =	rddreg [dreg:$0x3]  }
0x5: {  	s0 =	rddreg [dreg:$0x4]  }
0x6: {  	s4 =	srdreg.scid;
	s2 =	stileid.u32  }
0x7: {  	s3 =	simm.s32 $0x0;
	s21 =	simm.s32 $0x4;
	s22 =	simm.s32 $0x1  }
0x8: {  	s23 =	simm.s32 $0x2;
	s24 =	simm.s32 $0x3;
	s28 =	simm.s32 $0x0  }
0x9: {  	s4 =	sand.u32 $0x1, s4;
	s5 =	sshll.u32 s2, $0x1;
	[smem:$0x7FF] =	sst s3  }
0xa: {  	s25 =	sshrl.u32 s2, $0x1;
	s16 =	sadd.s32 $0x1000, s9;
	s17 =	sadd.s32 $0x2000, s9  }
0xb: {  	s19 =	sadd.s32 $0x3000, s9;
	s13 =	sor.u32 s4, s5;
	_ =	strace $0x80000047  }
0xc: {  	s10 =	smul.u32 $0xC3800, s25;
	s4 =	ssub.s32 $0x2, s4;
	s8 =	sshll.u32 s25, $0x11  }
0xd: {  	s25 =	simm.s32 $0x1E700;
	s6 =	sshll.u32 s13, $0x8;
	s26 =	sshrl.u32 s4, $0x1  }
0xe: {  	s31 =	sshll.u32 s13, $0x4;
	s7 =	sand.u32 $0x300, s6;
	s15 =	ssub.s32 s4, s26  }
0xf: {  	s14 =	sadd.s32 s14, s31;
	s26 =	simm.s32 $0x5;
	s6 =	sor.u32 s10, s7  }
0x10: {  	s12 =	sor.u32 s8, s7;
	s18 =	sor.u32 $0x80, s7;
	s15 =	smax.u32 s15, $0x1  }
0x11: {  	s29 =	sshrl.u32 s6, $0x3;
	s12 =	sshrl.u32 s12, $0x3;
	s20 =	sor.u32 s8, s18  }
0x12: {  	s30 =	sor.u32 s10, s18;
	s18 =	simm.s32 $0x400;
	s4 =	sadd.s32 s11, s29  }
0x13: {  	s5 =	sadd.s32 s9, s12;
	s6 =	sadd.s32 s12, s16;
	s7 =	sadd.s32 s12, s17  }
0x14: {  	s8 =	sadd.s32 s12, s19;
	s20 =	sshrl.u32 s20, $0x3;
	s12 =	sshrl.u32 s30, $0x3  }
0x15: {  	s9 =	sadd.s32 s9, s20;
	s10 =	sadd.s32 s20, s16;
	s11 =	sadd.s32 s11, s12  }
0x16: {  	s12 =	sadd.s32 s20, s17;
	s13 =	sadd.s32 s20, s19;
	s16 =	simm.s32 $0x18700  }
0x17: {  	s17 =	simm.s32 $0x80;
	s19 =	simm.s32 $0x1C700;
	s20 =	simm.s32 $0x1D700  }
.LBB2_1:
0x18: {  	[tilespmem:s16], [sflag:$0x4] =	stream.linear.gather [hbm4b:s1+s3], $0x4000, $0x38;
	[tilespmem:$0x1E780] =	vst v63  }
0x19: {  	_ = 	snop  }
0x1a: {  	[tilespmem:s3], [sflag:$0x1] =	stream.strided.gather [hbm4b:s4+s17], $0x18700, s18, s17, $0x38;
	[tilespmem:$0x1E780] =	vst v63  }
0x1b: {  	_ = 	snop  }
0x1c: {  	[tilespmem:s19], [sflag:$0x2] =	stream.strided.gather [hbm4b:s5+s17], $0x1000, s18, s17, $0x38;
	[tilespmem:$0x1E780] =	vst v63  }
0x1d: {  	_ = 	snop  }
0x1e: {  	[tilespmem:s20], [sflag:$0x3] =	stream.strided.gather [hbm4b:s6+s17], $0x1000, s18, s17, $0x38;
	[tilespmem:$0x1E780] =	vst v63  }
0x1f: {  	_ =	swait.ge [sflag:s21], $0x4000  }
0x20: {  	[sflag:s21] =	ssyncset.done $0x0  }
0x21: {  	[sflag:s21] =	ssyncadd.s32 $0xFFFFC000  }
0x22: {  	_ =	swait.ge [sflag:s22], $0x18700  }
0x23: {  	[sflag:s22] =	ssyncset.done $0x0  }
0x24: {  	[sflag:s22] =	ssyncadd.s32 $0xFFFE7900  }
0x25: {  	_ =	swait.ge [sflag:s23], $0x1000  }
0x26: {  	[sflag:s23] =	ssyncset.done $0x0  }
0x27: {  	s31 =	simm.s32 $0x0;
	[sflag:s23] =	ssyncadd.s32 $0xFFFFF000  }
0x28: {  	v0 =	vld [tilespmem:s31+$0x18770]  }
0x29: {  	v1 =	vld [tilespmem:s31+$0x18700]  }
0x2a: {  	v2 =	vld [tilespmem:s31+$0x18710]  }
0x2b: {  	v3 =	vld [tilespmem:s31+$0x18720]  }
0x2c: {  	v4 =	vld [tilespmem:s31+$0x18730]  }
0x2d: {  	v5 =	vld [tilespmem:s31+$0x18740]  }
0x2e: {  	v6 =	vld [tilespmem:s31+$0x18750]  }
0x2f: {  	v7 =	vld [tilespmem:s31+$0x18760]  }
0x30: {  	v8 =	vld [tilespmem:s31+$0x1C770]  }
0x31: {  	v17 =	vld [tilespmem:s31+$0x1C720]  }
0x32: {  	v0 =	vld.idx.msk [tilespmem:v0+s3+$0x0], $0xffff  }
0x33: {  	v1 =	vld.idx.msk [tilespmem:v1+s3+$0x0], $0xffff  }
0x34: {  	v2 =	vld.idx.msk [tilespmem:v2+s3+$0x0], $0xffff  }
0x35: {  	v12 =	vld.idx.msk [tilespmem:v3+s3+$0x0], $0xffff  }
0x36: {  	v11 =	vld.idx.msk [tilespmem:v4+s3+$0x0], $0xffff  }
0x37: {  	v3 =	vld [tilespmem:s31+$0x1C700]  }
0x38: {  	v4 =	vld [tilespmem:s31+$0x1C710]  }
0x39: {  	v16 =	vld [tilespmem:s31+$0x1C730]  }
0x3a: {  	v15 =	vld [tilespmem:s31+$0x1C740]  }
0x3b: {  	v10 =	vld.idx.msk [tilespmem:v5+s3+$0x0], $0xffff;
	v0 =	vsub.f32 v8, v0  }
0x3c: {  	v9 =	vld.idx.msk [tilespmem:v6+s3+$0x0], $0xffff;
	v5 =	vimm.f32 $0.0e+00;
	v6 =	vimm.f32 $0.0e+00  }
0x3d: {  	v14 =	vld [tilespmem:s31+$0x1C750];
	v19 =	vsub.f32 v3, v1;
	v18 =	vsub.f32 v4, v2;
	v0 =	vmul.f32 v0, v0  }
0x3e: {  	v8 =	vld.idx.msk [tilespmem:v7+s3+$0x0], $0xffff;
	v7 =	vimm.f32 $0.0e+00;
	v3 =	vimm.f32 $0.0e+00;
	v4 =	vimm.f32 $0.0e+00  }
0x3f: {  	s29 =	simm.s32 $0x80;
	s30 =	simm.s32 $0x400;
	v13 =	vld [tilespmem:s31+$0x1C760];
	v2 =	vimm.f32 $0.0e+00;
	v1 =	vimm.f32 $0.0e+00;
	v0 =	vadd.f32 v0, v5  }
.LBB2_2:
0x40: {  	p0 =	sne.s32 s30, $0x3E00;
	v20 =	vld [tilespmem:s29+$0x18770];
	v19 =	vmul.f32 v19, v19;
	v12 =	vsub.f32 v17, v12  }
0x41: {  	v17 =	vld [tilespmem:s29+$0x18700];
	v18 =	vmul.f32 v18, v18;
	v11 =	vsub.f32 v16, v11  }
0x42: {  	v16 =	vld [tilespmem:s29+$0x18710];
	v5 =	vadd.f32 v19, v5;
	v12 =	vmul.f32 v12, v12;
	v10 =	vsub.f32 v15, v10  }
0x43: {  	v15 =	vld [tilespmem:s29+$0x18720];
	v7 =	vadd.f32 v18, v7;
	v11 =	vmul.f32 v11, v11;
	v9 =	vsub.f32 v14, v9  }
0x44: {  	v14 =	vld [tilespmem:s29+$0x18730];
	v6 =	vadd.f32 v12, v6;
	v10 =	vmul.f32 v10, v10;
	v8 =	vsub.f32 v13, v8  }
0x45: {  	v13 =	vld [tilespmem:s29+$0x18740];
	v3 =	vadd.f32 v11, v3;
	v9 =	vmul.f32 v9, v9  }
0x46: {  	v18 =	vld [tilespmem:s29+$0x18750];
	v4 =	vadd.f32 v10, v4;
	v8 =	vmul.f32 v8, v8  }
0x47: {  	v19 =	vld [tilespmem:s29+$0x18760];
	v2 =	vadd.f32 v9, v2  }
0x48: {  	v9 =	vld.idx.msk [tilespmem:v20+s3+$0x0], $0xffff;
	v1 =	vadd.f32 v8, v1  }
0x49: {  	v8 =	vld [tilespmem:s29+$0x1C770]  }
0x4a: {  	v20 =	vld.idx.msk [tilespmem:v17+s3+$0x0], $0xffff  }
0x4b: {  	v21 =	vld.idx.msk [tilespmem:v16+s3+$0x0], $0xffff  }
0x4c: {  	v12 =	vld.idx.msk [tilespmem:v15+s3+$0x0], $0xffff  }
0x4d: {  	v11 =	vld.idx.msk [tilespmem:v14+s3+$0x0], $0xffff  }
0x4e: {  	v10 =	vld.idx.msk [tilespmem:v13+s3+$0x0], $0xffff;
	v13 =	vsub.f32 v8, v9  }
0x4f: {  	v9 =	vld.idx.msk [tilespmem:v18+s3+$0x0], $0xffff  }
0x50: {  	v8 =	vld.idx.msk [tilespmem:v19+s3+$0x0], $0xffff;
	v13 =	vmul.f32 v13, v13  }
0x51: {  	v14 =	vld [tilespmem:s29+$0x1C700]  }
0x52: {  	v18 =	vld [tilespmem:s29+$0x1C710];
	v0 =	vadd.f32 v13, v0  }
.Ltmp0:
0x53: {  	v17 =	vld [tilespmem:s29+$0x1C720];
	(pc) =	sbr.rel @p0 .LBB2_2-.Ltmp0, $4  }
0x54: {  	v16 =	vld [tilespmem:s29+$0x1C730]  }
0x55: {  	v15 =	vld [tilespmem:s29+$0x1C740]  }
0x56: {  	v19 =	vsub.f32 v14, v20;
	v14 =	vld [tilespmem:s29+$0x1C750]  }
0x57: {  	v18 =	vsub.f32 v18, v21;
	v13 =	vld [tilespmem:s29+$0x1C760];
	s29 =	sshra.s32 s30, $0x2;
	s30 =	sadd.s32 $0x200, s30  }
0x58: {  	v20 =	vld [tilespmem:s29+$0x18770]  }
0x59: {  	v21 =	vld [tilespmem:s29+$0x18700]  }
0x5a: {  	v22 =	vld [tilespmem:s29+$0x18710]  }
0x5b: {  	v23 =	vld [tilespmem:s29+$0x18720]  }
0x5c: {  	v24 =	vld [tilespmem:s29+$0x18730]  }
0x5d: {  	v25 =	vld [tilespmem:s29+$0x18740]  }
0x5e: {  	v26 =	vld [tilespmem:s29+$0x18750]  }
0x5f: {  	v27 =	vld [tilespmem:s29+$0x18760]  }
0x60: {  	v28 =	vld [tilespmem:s29+$0x1C770]  }
0x61: {  	v29 =	vld [tilespmem:s29+$0x1C700]  }
0x62: {  	v30 =	vld [tilespmem:s29+$0x1C710]  }
0x63: {  	v31 =	vld [tilespmem:s29+$0x1C720]  }
0x64: {  	v32 =	vld [tilespmem:s29+$0x1C730]  }
0x65: {  	v33 =	vld [tilespmem:s29+$0x1C740]  }
0x66: {  	v34 =	vld [tilespmem:s29+$0x1C750]  }
0x67: {  	v35 =	vld [tilespmem:s29+$0x1C760]  }
0x68: {  	v20 =	vld.idx.msk [tilespmem:v20+s3+$0x0], $0xffff  }
0x69: {  	v21 =	vld.idx.msk [tilespmem:v21+s3+$0x0], $0xffff  }
0x6a: {  	v22 =	vld.idx.msk [tilespmem:v22+s3+$0x0], $0xffff  }
0x6b: {  	v23 =	vld.idx.msk [tilespmem:v23+s3+$0x0], $0xffff  }
0x6c: {  	v24 =	vld.idx.msk [tilespmem:v24+s3+$0x0], $0xffff  }
0x6d: {  	v25 =	vld.idx.msk [tilespmem:v25+s3+$0x0], $0xffff  }
0x6e: {  	v26 =	vld.idx.msk [tilespmem:v26+s3+$0x0], $0xffff  }
0x6f: {  	v27 =	vld.idx.msk [tilespmem:v27+s3+$0x0], $0xffff;
	[tilespmem:s19], [sflag:$0x2] =	stream.strided.gather [hbm4b:s7+s17], $0x1000, s18, s17, $0x38  }
0x70: {  	_ =	swait.ge [sflag:s24], $0x1000  }
0x71: {  	[sflag:s24] =	ssyncset.done $0x0  }
0x72: {  	s31 =	simm.s32 $0x40;
	[sflag:s24] =	ssyncadd.s32 $0xFFFFF000  }
0x73: {  	v36 =	vld [tilespmem:s31+$0x19730]  }
0x74: {  	v37 =	vld [tilespmem:s31+$0x196C0]  }
0x75: {  	v38 =	vld [tilespmem:s31+$0x196D0]  }
0x76: {  	v39 =	vld [tilespmem:s31+$0x196E0]  }
0x77: {  	v40 =	vld [tilespmem:s31+$0x196F0]  }
0x78: {  	v12 =	vsub.f32 v17, v12;
	v11 =	vsub.f32 v16, v11;
	v17 =	vld [tilespmem:s31+$0x19700]  }
0x79: {  	v19 =	vmul.f32 v19, v19;
	v18 =	vmul.f32 v18, v18;
	v16 =	vld [tilespmem:s31+$0x19710]  }
0x7a: {  	v10 =	vsub.f32 v15, v10;
	v9 =	vsub.f32 v14, v9;
	v11 =	vmul.f32 v11, v11;
	v15 =	vld [tilespmem:s31+$0x19720]  }
0x7b: {  	v5 =	vadd.f32 v19, v5;
	v12 =	vmul.f32 v12, v12;
	v7 =	vadd.f32 v18, v7;
	v18 =	vld [tilespmem:s31+$0x1D730]  }
0x7c: {  	v8 =	vsub.f32 v13, v8;
	v19 =	vadd.f32 v11, v3;
	v3 =	vmul.f32 v9, v9;
	v62 =	vld [tilespmem:s31+$0x1D6C0]  }
0x7d: {  	v6 =	vadd.f32 v12, v6;
	v10 =	vmul.f32 v10, v10;
	v12 =	vsub.f32 v28, v20;
	v14 =	vld.idx.msk [tilespmem:v36+s3+$0x0], $0xffff  }
0x7e: {  	v8 =	vmul.f32 v8, v8;
	v2 =	vadd.f32 v3, v2;
	v3 =	vsub.f32 v30, v22;
	v13 =	vld.idx.msk [tilespmem:v37+s3+$0x0], $0xffff  }
0x7f: {  	v20 =	vadd.f32 v10, v4;
	v4 =	vsub.f32 v29, v21;
	v9 =	vmul.f32 v12, v12;
	v59 =	vld.idx.msk [tilespmem:v38+s3+$0x0], $0xffff  }
0x80: {  	v1 =	vadd.f32 v8, v1;
	v3 =	vmul.f32 v3, v3;
	v12 =	vld.idx.msk [tilespmem:v39+s3+$0x0], $0xffff  }
0x81: {  	v61 =	vsub.f32 v32, v24;
	v60 =	vadd.f32 v9, v0;
	v0 =	vmul.f32 v4, v4;
	v11 =	vld.idx.msk [tilespmem:v40+s3+$0x0], $0xffff  }
0x82: {  	v3 =	vadd.f32 v3, v7;
	v10 =	vld.idx.msk [tilespmem:v17+s3+$0x0], $0xffff;
	v17 =	vsub.f32 v31, v23  }
0x83: {  	v4 =	vadd.f32 v0, v5;
	v0 =	vsub.f32 v33, v25;
	v9 =	vld.idx.msk [tilespmem:v16+s3+$0x0], $0xffff  }
0x84: {  	v8 =	vld.idx.msk [tilespmem:v15+s3+$0x0], $0xffff;
	v15 =	vsub.f32 v35, v27;
	v16 =	vmul.f32 v61, v61;
	v5 =	vmul.f32 v17, v17  }
0x85: {  	v7 =	vsub.f32 v34, v26;
	v0 =	vmul.f32 v0, v0;
	v14 =	vsub.f32 v18, v14;
	v18 =	vld [tilespmem:s31+$0x1D6D0]  }
0x86: {  	v17 =	vld [tilespmem:s31+$0x1D6E0];
	v6 =	vadd.f32 v5, v6;
	v5 =	vadd.f32 v16, v19;
	v19 =	vmul.f32 v15, v15  }
0x87: {  	v16 =	vld [tilespmem:s31+$0x1D6F0];
	v14 =	vmul.f32 v14, v14  }
0x88: {  	v63 =	vmul.f32 v7, v7;
	v7 =	vadd.f32 v0, v20;
	v15 =	vld [tilespmem:s31+$0x1D700];
	v0 =	vadd.f32 v19, v1  }
0x89: {  	v19 =	vsub.f32 v62, v13;
	v1 =	vadd.f32 v14, v60;
	v14 =	vld [tilespmem:s31+$0x1D710]  }
0x8a: {  	s29 =	simm.s32 $0xC0;
	s30 =	simm.s32 $0x500;
	v2 =	vadd.f32 v63, v2;
	v13 =	vld [tilespmem:s31+$0x1D720];
	v18 =	vsub.f32 v18, v59  }
.LBB2_4:
0x8b: {  	p0 =	sne.s32 s30, $0x3F00;
	v20 =	vld [tilespmem:s29+$0x19730];
	v19 =	vmul.f32 v19, v19;
	v12 =	vsub.f32 v17, v12  }
0x8c: {  	v17 =	vld [tilespmem:s29+$0x196C0];
	v18 =	vmul.f32 v18, v18;
	v11 =	vsub.f32 v16, v11  }
0x8d: {  	v16 =	vld [tilespmem:s29+$0x196D0];
	v4 =	vadd.f32 v19, v4;
	v12 =	vmul.f32 v12, v12;
	v10 =	vsub.f32 v15, v10  }
0x8e: {  	v15 =	vld [tilespmem:s29+$0x196E0];
	v3 =	vadd.f32 v18, v3;
	v11 =	vmul.f32 v11, v11;
	v9 =	vsub.f32 v14, v9  }
0x8f: {  	v14 =	vld [tilespmem:s29+$0x196F0];
	v6 =	vadd.f32 v12, v6;
	v10 =	vmul.f32 v10, v10;
	v8 =	vsub.f32 v13, v8  }
0x90: {  	v13 =	vld [tilespmem:s29+$0x19700];
	v5 =	vadd.f32 v11, v5;
	v9 =	vmul.f32 v9, v9  }
0x91: {  	v18 =	vld [tilespmem:s29+$0x19710];
	v7 =	vadd.f32 v10, v7;
	v8 =	vmul.f32 v8, v8  }
0x92: {  	v19 =	vld [tilespmem:s29+$0x19720];
	v2 =	vadd.f32 v9, v2  }
0x93: {  	v9 =	vld.idx.msk [tilespmem:v20+s3+$0x0], $0xffff;
	v0 =	vadd.f32 v8, v0  }
0x94: {  	v8 =	vld [tilespmem:s29+$0x1D730]  }
0x95: {  	v20 =	vld.idx.msk [tilespmem:v17+s3+$0x0], $0xffff  }
0x96: {  	v21 =	vld.idx.msk [tilespmem:v16+s3+$0x0], $0xffff  }
0x97: {  	v12 =	vld.idx.msk [tilespmem:v15+s3+$0x0], $0xffff  }
0x98: {  	v11 =	vld.idx.msk [tilespmem:v14+s3+$0x0], $0xffff  }
0x99: {  	v10 =	vld.idx.msk [tilespmem:v13+s3+$0x0], $0xffff;
	v13 =	vsub.f32 v8, v9  }
0x9a: {  	v9 =	vld.idx.msk [tilespmem:v18+s3+$0x0], $0xffff  }
0x9b: {  	v8 =	vld.idx.msk [tilespmem:v19+s3+$0x0], $0xffff;
	v13 =	vmul.f32 v13, v13  }
0x9c: {  	v14 =	vld [tilespmem:s29+$0x1D6C0]  }
0x9d: {  	v18 =	vld [tilespmem:s29+$0x1D6D0];
	v1 =	vadd.f32 v13, v1  }
.Ltmp1:
0x9e: {  	v17 =	vld [tilespmem:s29+$0x1D6E0];
	(pc) =	sbr.rel @p0 .LBB2_4-.Ltmp1, $4  }
0x9f: {  	v16 =	vld [tilespmem:s29+$0x1D6F0]  }
0xa0: {  	v15 =	vld [tilespmem:s29+$0x1D700]  }
0xa1: {  	v19 =	vsub.f32 v14, v20;
	v14 =	vld [tilespmem:s29+$0x1D710]  }
0xa2: {  	v18 =	vsub.f32 v18, v21;
	v13 =	vld [tilespmem:s29+$0x1D720];
	s29 =	sshra.s32 s30, $0x2;
	s30 =	sadd.s32 $0x200, s30  }
0xa3: {  	v20 =	vld [tilespmem:s29+$0x19730]  }
0xa4: {  	v21 =	vld [tilespmem:s29+$0x196C0]  }
0xa5: {  	v22 =	vld [tilespmem:s29+$0x196D0]  }
0xa6: {  	v23 =	vld [tilespmem:s29+$0x196E0]  }
0xa7: {  	v24 =	vld [tilespmem:s29+$0x196F0]  }
0xa8: {  	v25 =	vld [tilespmem:s29+$0x19700]  }
0xa9: {  	v26 =	vld [tilespmem:s29+$0x19710]  }
0xaa: {  	v27 =	vld [tilespmem:s29+$0x19720]  }
0xab: {  	v28 =	vld [tilespmem:s29+$0x1D730]  }
0xac: {  	v29 =	vld [tilespmem:s29+$0x1D6C0]  }
0xad: {  	v30 =	vld [tilespmem:s29+$0x1D6D0]  }
0xae: {  	v31 =	vld [tilespmem:s29+$0x1D6E0]  }
0xaf: {  	v32 =	vld [tilespmem:s29+$0x1D6F0]  }
0xb0: {  	v33 =	vld [tilespmem:s29+$0x1D700]  }
0xb1: {  	v34 =	vld [tilespmem:s29+$0x1D710]  }
0xb2: {  	v35 =	vld [tilespmem:s29+$0x1D720]  }
0xb3: {  	v20 =	vld.idx.msk [tilespmem:v20+s3+$0x0], $0xffff  }
0xb4: {  	v21 =	vld.idx.msk [tilespmem:v21+s3+$0x0], $0xffff  }
0xb5: {  	v22 =	vld.idx.msk [tilespmem:v22+s3+$0x0], $0xffff  }
0xb6: {  	v23 =	vld.idx.msk [tilespmem:v23+s3+$0x0], $0xffff  }
0xb7: {  	v24 =	vld.idx.msk [tilespmem:v24+s3+$0x0], $0xffff  }
0xb8: {  	v25 =	vld.idx.msk [tilespmem:v25+s3+$0x0], $0xffff  }
0xb9: {  	v26 =	vld.idx.msk [tilespmem:v26+s3+$0x0], $0xffff  }
0xba: {  	v27 =	vld.idx.msk [tilespmem:v27+s3+$0x0], $0xffff;
	[tilespmem:s20], [sflag:$0x3] =	stream.strided.gather [hbm4b:s8+s17], $0x1000, s18, s17, $0x38  }
0xbb: {  	_ =	swait.ge [sflag:s23], $0x1000  }
0xbc: {  	[sflag:s23] =	ssyncset.done $0x0  }
0xbd: {  	s31 =	simm.s32 $0x0;
	[sflag:s23] =	ssyncadd.s32 $0xFFFFF000  }
0xbe: {  	v36 =	vld [tilespmem:s31+$0x1A770]  }
0xbf: {  	v37 =	vld [tilespmem:s31+$0x1A700]  }
0xc0: {  	v38 =	vld [tilespmem:s31+$0x1A710]  }
0xc1: {  	v39 =	vld [tilespmem:s31+$0x1A720]  }
0xc2: {  	v40 =	vld [tilespmem:s31+$0x1A730]  }
0xc3: {  	v19 =	vmul.f32 v19, v19;
	v12 =	vsub.f32 v17, v12;
	v17 =	vld [tilespmem:s31+$0x1A740]  }
0xc4: {  	v18 =	vmul.f32 v18, v18;
	v11 =	vsub.f32 v16, v11;
	v16 =	vld [tilespmem:s31+$0x1A750]  }
0xc5: {  	v4 =	vadd.f32 v19, v4;
	v10 =	vsub.f32 v15, v10;
	v15 =	vld [tilespmem:s31+$0x1A760]  }
0xc6: {  	v12 =	vmul.f32 v12, v12;
	v3 =	vadd.f32 v18, v3;
	v9 =	vsub.f32 v14, v9;
	v18 =	vld [tilespmem:s31+$0x1C770]  }
0xc7: {  	v11 =	vmul.f32 v11, v11;
	v10 =	vmul.f32 v10, v10;
	v8 =	vsub.f32 v13, v8;
	v61 =	vld [tilespmem:s31+$0x1C700]  }
0xc8: {  	v6 =	vadd.f32 v12, v6;
	v9 =	vmul.f32 v9, v9;
	v12 =	vsub.f32 v28, v20;
	v14 =	vld.idx.msk [tilespmem:v36+s3+$0x0], $0xffff  }
0xc9: {  	v5 =	vadd.f32 v11, v5;
	v7 =	vadd.f32 v10, v7;
	v8 =	vmul.f32 v8, v8;
	v13 =	vld.idx.msk [tilespmem:v37+s3+$0x0], $0xffff  }
0xca: {  	v2 =	vadd.f32 v9, v2;
	v10 =	vsub.f32 v29, v21;
	v19 =	vmul.f32 v12, v12;
	v20 =	vld.idx.msk [tilespmem:v38+s3+$0x0], $0xffff  }
0xcb: {  	v0 =	vadd.f32 v8, v0;
	v9 =	vsub.f32 v30, v22;
	v12 =	vld.idx.msk [tilespmem:v39+s3+$0x0], $0xffff  }
0xcc: {  	v8 =	vmul.f32 v10, v10;
	v1 =	vadd.f32 v19, v1;
	v19 =	vsub.f32 v32, v24;
	v11 =	vld.idx.msk [tilespmem:v40+s3+$0x0], $0xffff  }
0xcd: {  	v62 =	vsub.f32 v35, v27;
	v10 =	vld.idx.msk [tilespmem:v17+s3+$0x0], $0xffff;
	v17 =	vsub.f32 v31, v23  }
0xce: {  	v60 =	vmul.f32 v9, v9;
	v4 =	vadd.f32 v8, v4;
	v19 =	vmul.f32 v19, v19;
	v9 =	vld.idx.msk [tilespmem:v16+s3+$0x0], $0xffff  }
0xcf: {  	v16 =	vsub.f32 v33, v25;
	v8 =	vld.idx.msk [tilespmem:v15+s3+$0x0], $0xffff;
	v15 =	vmul.f32 v17, v17;
	v17 =	vsub.f32 v34, v26  }
0xd0: {  	v5 =	vadd.f32 v19, v5;
	v19 =	vmul.f32 v62, v62;
	v14 =	vsub.f32 v18, v14;
	v18 =	vld [tilespmem:s31+$0x1C710]  }
0xd1: {  	v6 =	vadd.f32 v15, v6;
	v15 =	vmul.f32 v16, v16;
	v63 =	vmul.f32 v17, v17;
	v17 =	vld [tilespmem:s31+$0x1C720]  }
0xd2: {  	v3 =	vadd.f32 v60, v3;
	v16 =	vld [tilespmem:s31+$0x1C730];
	v14 =	vmul.f32 v14, v14  }
0xd3: {  	v0 =	vadd.f32 v19, v0;
	v7 =	vadd.f32 v15, v7;
	v15 =	vld [tilespmem:s31+$0x1C740]  }
0xd4: {  	v19 =	vsub.f32 v61, v13;
	v1 =	vadd.f32 v14, v1;
	v14 =	vld [tilespmem:s31+$0x1C750]  }
0xd5: {  	s29 =	simm.s32 $0x80;
	s30 =	simm.s32 $0x400;
	v13 =	vld [tilespmem:s31+$0x1C760];
	v2 =	vadd.f32 v63, v2;
	v18 =	vsub.f32 v18, v20  }
.LBB2_6:
0xd6: {  	p0 =	sne.s32 s30, $0x3E00;
	v20 =	vld [tilespmem:s29+$0x1A770];
	v19 =	vmul.f32 v19, v19;
	v12 =	vsub.f32 v17, v12  }
0xd7: {  	v17 =	vld [tilespmem:s29+$0x1A700];
	v18 =	vmul.f32 v18, v18;
	v11 =	vsub.f32 v16, v11  }
0xd8: {  	v16 =	vld [tilespmem:s29+$0x1A710];
	v4 =	vadd.f32 v19, v4;
	v12 =	vmul.f32 v12, v12;
	v10 =	vsub.f32 v15, v10  }
0xd9: {  	v15 =	vld [tilespmem:s29+$0x1A720];
	v3 =	vadd.f32 v18, v3;
	v11 =	vmul.f32 v11, v11;
	v9 =	vsub.f32 v14, v9  }
0xda: {  	v14 =	vld [tilespmem:s29+$0x1A730];
	v6 =	vadd.f32 v12, v6;
	v10 =	vmul.f32 v10, v10;
	v8 =	vsub.f32 v13, v8  }
0xdb: {  	v13 =	vld [tilespmem:s29+$0x1A740];
	v5 =	vadd.f32 v11, v5;
	v9 =	vmul.f32 v9, v9  }
0xdc: {  	v18 =	vld [tilespmem:s29+$0x1A750];
	v7 =	vadd.f32 v10, v7;
	v8 =	vmul.f32 v8, v8  }
0xdd: {  	v19 =	vld [tilespmem:s29+$0x1A760];
	v2 =	vadd.f32 v9, v2  }
0xde: {  	v9 =	vld.idx.msk [tilespmem:v20+s3+$0x0], $0xffff;
	v0 =	vadd.f32 v8, v0  }
0xdf: {  	v8 =	vld [tilespmem:s29+$0x1C770]  }
0xe0: {  	v20 =	vld.idx.msk [tilespmem:v17+s3+$0x0], $0xffff  }
0xe1: {  	v21 =	vld.idx.msk [tilespmem:v16+s3+$0x0], $0xffff  }
0xe2: {  	v12 =	vld.idx.msk [tilespmem:v15+s3+$0x0], $0xffff  }
0xe3: {  	v11 =	vld.idx.msk [tilespmem:v14+s3+$0x0], $0xffff  }
0xe4: {  	v10 =	vld.idx.msk [tilespmem:v13+s3+$0x0], $0xffff;
	v13 =	vsub.f32 v8, v9  }
0xe5: {  	v9 =	vld.idx.msk [tilespmem:v18+s3+$0x0], $0xffff  }
0xe6: {  	v8 =	vld.idx.msk [tilespmem:v19+s3+$0x0], $0xffff;
	v13 =	vmul.f32 v13, v13  }
0xe7: {  	v14 =	vld [tilespmem:s29+$0x1C700]  }
0xe8: {  	v18 =	vld [tilespmem:s29+$0x1C710];
	v1 =	vadd.f32 v13, v1  }
.Ltmp2:
0xe9: {  	v17 =	vld [tilespmem:s29+$0x1C720];
	(pc) =	sbr.rel @p0 .LBB2_6-.Ltmp2, $4  }
0xea: {  	v16 =	vld [tilespmem:s29+$0x1C730]  }
0xeb: {  	v15 =	vld [tilespmem:s29+$0x1C740]  }
0xec: {  	v19 =	vsub.f32 v14, v20;
	v14 =	vld [tilespmem:s29+$0x1C750]  }
0xed: {  	v18 =	vsub.f32 v18, v21;
	v13 =	vld [tilespmem:s29+$0x1C760];
	s29 =	sshra.s32 s30, $0x2;
	s30 =	sadd.s32 $0x200, s30  }
0xee: {  	v20 =	vld [tilespmem:s29+$0x1A770]  }
0xef: {  	v21 =	vld [tilespmem:s29+$0x1A700]  }
0xf0: {  	v22 =	vld [tilespmem:s29+$0x1A710]  }
0xf1: {  	v23 =	vld [tilespmem:s29+$0x1A720]  }
0xf2: {  	v24 =	vld [tilespmem:s29+$0x1A730]  }
0xf3: {  	v25 =	vld [tilespmem:s29+$0x1A740]  }
0xf4: {  	v26 =	vld [tilespmem:s29+$0x1A750]  }
0xf5: {  	v27 =	vld [tilespmem:s29+$0x1A760]  }
0xf6: {  	v28 =	vld [tilespmem:s29+$0x1C770]  }
0xf7: {  	v29 =	vld [tilespmem:s29+$0x1C700]  }
0xf8: {  	v30 =	vld [tilespmem:s29+$0x1C710]  }
0xf9: {  	v31 =	vld [tilespmem:s29+$0x1C720]  }
0xfa: {  	v32 =	vld [tilespmem:s29+$0x1C730]  }
0xfb: {  	v33 =	vld [tilespmem:s29+$0x1C740]  }
0xfc: {  	v34 =	vld [tilespmem:s29+$0x1C750]  }
0xfd: {  	v35 =	vld [tilespmem:s29+$0x1C760]  }
0xfe: {  	v20 =	vld.idx.msk [tilespmem:v20+s3+$0x0], $0xffff  }
0xff: {  	v21 =	vld.idx.msk [tilespmem:v21+s3+$0x0], $0xffff  }
0x100: {  	v22 =	vld.idx.msk [tilespmem:v22+s3+$0x0], $0xffff  }
0x101: {  	v23 =	vld.idx.msk [tilespmem:v23+s3+$0x0], $0xffff  }
0x102: {  	v24 =	vld.idx.msk [tilespmem:v24+s3+$0x0], $0xffff  }
0x103: {  	v25 =	vld.idx.msk [tilespmem:v25+s3+$0x0], $0xffff  }
0x104: {  	v26 =	vld.idx.msk [tilespmem:v26+s3+$0x0], $0xffff  }
0x105: {  	v27 =	vld.idx.msk [tilespmem:v27+s3+$0x0], $0xffff;
	[tilespmem:s19], [sflag:$0x2] =	stream.strided.gather [hbm4b:s9+s17], $0x1000, s18, s17, $0x38  }
0x106: {  	_ =	swait.ge [sflag:s24], $0x1000  }
0x107: {  	[sflag:s24] =	ssyncset.done $0x0  }
0x108: {  	s31 =	simm.s32 $0x0;
	[sflag:s24] =	ssyncadd.s32 $0xFFFFF000  }
0x109: {  	v36 =	vld [tilespmem:s31+$0x1B770]  }
0x10a: {  	v37 =	vld [tilespmem:s31+$0x1B700]  }
0x10b: {  	v38 =	vld [tilespmem:s31+$0x1B710]  }
0x10c: {  	v39 =	vld [tilespmem:s31+$0x1B720]  }
0x10d: {  	v40 =	vld [tilespmem:s31+$0x1B730]  }
0x10e: {  	v19 =	vmul.f32 v19, v19;
	v12 =	vsub.f32 v17, v12;
	v17 =	vld [tilespmem:s31+$0x1B740]  }
0x10f: {  	v18 =	vmul.f32 v18, v18;
	v11 =	vsub.f32 v16, v11;
	v16 =	vld [tilespmem:s31+$0x1B750]  }
0x110: {  	v4 =	vadd.f32 v19, v4;
	v10 =	vsub.f32 v15, v10;
	v15 =	vld [tilespmem:s31+$0x1B760]  }
0x111: {  	v12 =	vmul.f32 v12, v12;
	v3 =	vadd.f32 v18, v3;
	v9 =	vsub.f32 v14, v9;
	v18 =	vld [tilespmem:s31+$0x1D770]  }
0x112: {  	v11 =	vmul.f32 v11, v11;
	v10 =	vmul.f32 v10, v10;
	v8 =	vsub.f32 v13, v8;
	v61 =	vld [tilespmem:s31+$0x1D700]  }
0x113: {  	v6 =	vadd.f32 v12, v6;
	v9 =	vmul.f32 v9, v9;
	v12 =	vsub.f32 v28, v20;
	v14 =	vld.idx.msk [tilespmem:v36+s3+$0x0], $0xffff  }
0x114: {  	v5 =	vadd.f32 v11, v5;
	v7 =	vadd.f32 v10, v7;
	v8 =	vmul.f32 v8, v8;
	v13 =	vld.idx.msk [tilespmem:v37+s3+$0x0], $0xffff  }
0x115: {  	v2 =	vadd.f32 v9, v2;
	v10 =	vsub.f32 v29, v21;
	v19 =	vmul.f32 v12, v12;
	v20 =	vld.idx.msk [tilespmem:v38+s3+$0x0], $0xffff  }
0x116: {  	v0 =	vadd.f32 v8, v0;
	v9 =	vsub.f32 v30, v22;
	v12 =	vld.idx.msk [tilespmem:v39+s3+$0x0], $0xffff  }
0x117: {  	v8 =	vmul.f32 v10, v10;
	v1 =	vadd.f32 v19, v1;
	v19 =	vsub.f32 v32, v24;
	v11 =	vld.idx.msk [tilespmem:v40+s3+$0x0], $0xffff  }
0x118: {  	v62 =	vsub.f32 v35, v27;
	v10 =	vld.idx.msk [tilespmem:v17+s3+$0x0], $0xffff;
	v17 =	vsub.f32 v31, v23  }
0x119: {  	v60 =	vmul.f32 v9, v9;
	v4 =	vadd.f32 v8, v4;
	v19 =	vmul.f32 v19, v19;
	v9 =	vld.idx.msk [tilespmem:v16+s3+$0x0], $0xffff  }
0x11a: {  	v16 =	vsub.f32 v33, v25;
	v8 =	vld.idx.msk [tilespmem:v15+s3+$0x0], $0xffff;
	v15 =	vmul.f32 v17, v17;
	v17 =	vsub.f32 v34, v26  }
0x11b: {  	v5 =	vadd.f32 v19, v5;
	v19 =	vmul.f32 v62, v62;
	v14 =	vsub.f32 v18, v14;
	v18 =	vld [tilespmem:s31+$0x1D710]  }
0x11c: {  	v6 =	vadd.f32 v15, v6;
	v15 =	vmul.f32 v16, v16;
	v63 =	vmul.f32 v17, v17;
	v17 =	vld [tilespmem:s31+$0x1D720]  }
0x11d: {  	v3 =	vadd.f32 v60, v3;
	v16 =	vld [tilespmem:s31+$0x1D730];
	v14 =	vmul.f32 v14, v14  }
0x11e: {  	v0 =	vadd.f32 v19, v0;
	v7 =	vadd.f32 v15, v7;
	v15 =	vld [tilespmem:s31+$0x1D740]  }
0x11f: {  	v19 =	vsub.f32 v61, v13;
	v1 =	vadd.f32 v14, v1;
	v14 =	vld [tilespmem:s31+$0x1D750]  }
0x120: {  	s29 =	simm.s32 $0x80;
	s30 =	simm.s32 $0x400;
	v13 =	vld [tilespmem:s31+$0x1D760];
	v2 =	vadd.f32 v63, v2;
	v18 =	vsub.f32 v18, v20  }
.LBB2_8:
0x121: {  	p0 =	sne.s32 s30, $0x3E00;
	v20 =	vld [tilespmem:s29+$0x1B770];
	v19 =	vmul.f32 v19, v19;
	v12 =	vsub.f32 v17, v12  }
0x122: {  	v17 =	vld [tilespmem:s29+$0x1B700];
	v18 =	vmul.f32 v18, v18;
	v11 =	vsub.f32 v16, v11  }
0x123: {  	v16 =	vld [tilespmem:s29+$0x1B710];
	v4 =	vadd.f32 v19, v4;
	v12 =	vmul.f32 v12, v12;
	v10 =	vsub.f32 v15, v10  }
0x124: {  	v15 =	vld [tilespmem:s29+$0x1B720];
	v3 =	vadd.f32 v18, v3;
	v11 =	vmul.f32 v11, v11;
	v9 =	vsub.f32 v14, v9  }
0x125: {  	v14 =	vld [tilespmem:s29+$0x1B730];
	v6 =	vadd.f32 v12, v6;
	v10 =	vmul.f32 v10, v10;
	v8 =	vsub.f32 v13, v8  }
0x126: {  	v13 =	vld [tilespmem:s29+$0x1B740];
	v5 =	vadd.f32 v11, v5;
	v9 =	vmul.f32 v9, v9  }
0x127: {  	v18 =	vld [tilespmem:s29+$0x1B750];
	v7 =	vadd.f32 v10, v7;
	v8 =	vmul.f32 v8, v8  }
0x128: {  	v19 =	vld [tilespmem:s29+$0x1B760];
	v2 =	vadd.f32 v9, v2  }
0x129: {  	v9 =	vld.idx.msk [tilespmem:v20+s3+$0x0], $0xffff;
	v0 =	vadd.f32 v8, v0  }
0x12a: {  	v8 =	vld [tilespmem:s29+$0x1D770]  }
0x12b: {  	v20 =	vld.idx.msk [tilespmem:v17+s3+$0x0], $0xffff  }
0x12c: {  	v21 =	vld.idx.msk [tilespmem:v16+s3+$0x0], $0xffff  }
0x12d: {  	v12 =	vld.idx.msk [tilespmem:v15+s3+$0x0], $0xffff  }
0x12e: {  	v11 =	vld.idx.msk [tilespmem:v14+s3+$0x0], $0xffff  }
0x12f: {  	v10 =	vld.idx.msk [tilespmem:v13+s3+$0x0], $0xffff;
	v13 =	vsub.f32 v8, v9  }
0x130: {  	v9 =	vld.idx.msk [tilespmem:v18+s3+$0x0], $0xffff  }
0x131: {  	v8 =	vld.idx.msk [tilespmem:v19+s3+$0x0], $0xffff;
	v13 =	vmul.f32 v13, v13  }
0x132: {  	v14 =	vld [tilespmem:s29+$0x1D700]  }
0x133: {  	v18 =	vld [tilespmem:s29+$0x1D710];
	v1 =	vadd.f32 v13, v1  }
.Ltmp3:
0x134: {  	v17 =	vld [tilespmem:s29+$0x1D720];
	(pc) =	sbr.rel @p0 .LBB2_8-.Ltmp3, $4  }
0x135: {  	v16 =	vld [tilespmem:s29+$0x1D730]  }
0x136: {  	v15 =	vld [tilespmem:s29+$0x1D740]  }
0x137: {  	v19 =	vsub.f32 v14, v20;
	v14 =	vld [tilespmem:s29+$0x1D750]  }
0x138: {  	v18 =	vsub.f32 v18, v21;
	v13 =	vld [tilespmem:s29+$0x1D760];
	s29 =	sshra.s32 s30, $0x2;
	s30 =	sadd.s32 $0x200, s30  }
0x139: {  	v20 =	vld [tilespmem:s29+$0x1B770]  }
0x13a: {  	v21 =	vld [tilespmem:s29+$0x1B700]  }
0x13b: {  	v22 =	vld [tilespmem:s29+$0x1B710]  }
0x13c: {  	v23 =	vld [tilespmem:s29+$0x1B720]  }
0x13d: {  	v24 =	vld [tilespmem:s29+$0x1B730]  }
0x13e: {  	v25 =	vld [tilespmem:s29+$0x1B740]  }
0x13f: {  	v26 =	vld [tilespmem:s29+$0x1B750]  }
0x140: {  	v27 =	vld [tilespmem:s29+$0x1B760]  }
0x141: {  	v28 =	vld [tilespmem:s29+$0x1D770]  }
0x142: {  	v29 =	vld [tilespmem:s29+$0x1D700]  }
0x143: {  	v30 =	vld [tilespmem:s29+$0x1D710]  }
0x144: {  	v31 =	vld [tilespmem:s29+$0x1D720]  }
0x145: {  	v32 =	vld [tilespmem:s29+$0x1D730]  }
0x146: {  	v33 =	vld [tilespmem:s29+$0x1D740]  }
0x147: {  	v34 =	vld [tilespmem:s29+$0x1D750]  }
0x148: {  	v35 =	vld [tilespmem:s29+$0x1D760]  }
0x149: {  	v20 =	vld.idx.msk [tilespmem:v20+s3+$0x0], $0xffff  }
0x14a: {  	v21 =	vld.idx.msk [tilespmem:v21+s3+$0x0], $0xffff  }
0x14b: {  	v22 =	vld.idx.msk [tilespmem:v22+s3+$0x0], $0xffff  }
0x14c: {  	v23 =	vld.idx.msk [tilespmem:v23+s3+$0x0], $0xffff  }
0x14d: {  	v24 =	vld.idx.msk [tilespmem:v24+s3+$0x0], $0xffff  }
0x14e: {  	v25 =	vld.idx.msk [tilespmem:v25+s3+$0x0], $0xffff  }
0x14f: {  	v26 =	vld.idx.msk [tilespmem:v26+s3+$0x0], $0xffff  }
0x150: {  	v27 =	vld.idx.msk [tilespmem:v27+s3+$0x0], $0xffff;
	[tilespmem:s20], [sflag:$0x3] =	stream.strided.gather [hbm4b:s10+s17], $0x1000, s18, s17, $0x38  }
0x151: {  	s29 =	simm.s32 $0x0  }
0x152: {  	[tilespmem:s29], [sflag:$0x1] =	stream.strided.gather [hbm4b:s11+s17], $0x18700, s18, s17, $0x38;
	[tilespmem:$0x1E780] =	vst v63  }
0x153: {  	_ =	swait.ge [sflag:s22], $0x18700  }
0x154: {  	[sflag:s22] =	ssyncset.done $0x0  }
0x155: {  	[sflag:s22] =	ssyncadd.s32 $0xFFFE7900  }
0x156: {  	_ =	swait.ge [sflag:s23], $0x1000  }
0x157: {  	[sflag:s23] =	ssyncset.done $0x0  }
0x158: {  	s31 =	simm.s32 $0x0;
	[sflag:s23] =	ssyncadd.s32 $0xFFFFF000  }
0x159: {  	v36 =	vld [tilespmem:s31+$0x18770]  }
0x15a: {  	v37 =	vld [tilespmem:s31+$0x18700]  }
0x15b: {  	v38 =	vld [tilespmem:s31+$0x18710]  }
0x15c: {  	v39 =	vld [tilespmem:s31+$0x18720]  }
0x15d: {  	v40 =	vld [tilespmem:s31+$0x18730]  }
0x15e: {  	v19 =	vmul.f32 v19, v19;
	v12 =	vsub.f32 v17, v12;
	v17 =	vld [tilespmem:s31+$0x18740]  }
0x15f: {  	v18 =	vmul.f32 v18, v18;
	v11 =	vsub.f32 v16, v11;
	v16 =	vld [tilespmem:s31+$0x18750]  }
0x160: {  	v4 =	vadd.f32 v19, v4;
	v10 =	vsub.f32 v15, v10;
	v15 =	vld [tilespmem:s31+$0x18760]  }
0x161: {  	v12 =	vmul.f32 v12, v12;
	v3 =	vadd.f32 v18, v3;
	v9 =	vsub.f32 v14, v9;
	v18 =	vld [tilespmem:s31+$0x1C770]  }
0x162: {  	v11 =	vmul.f32 v11, v11;
	v10 =	vmul.f32 v10, v10;
	v8 =	vsub.f32 v13, v8;
	v61 =	vld [tilespmem:s31+$0x1C700]  }
0x163: {  	v6 =	vadd.f32 v12, v6;
	v9 =	vmul.f32 v9, v9;
	v12 =	vsub.f32 v28, v20;
	v14 =	vld.idx.msk [tilespmem:v36+s3+$0x0], $0xffff  }
0x164: {  	v5 =	vadd.f32 v11, v5;
	v7 =	vadd.f32 v10, v7;
	v8 =	vmul.f32 v8, v8;
	v13 =	vld.idx.msk [tilespmem:v37+s3+$0x0], $0xffff  }
0x165: {  	v2 =	vadd.f32 v9, v2;
	v10 =	vsub.f32 v29, v21;
	v19 =	vmul.f32 v12, v12;
	v20 =	vld.idx.msk [tilespmem:v38+s3+$0x0], $0xffff  }
0x166: {  	v0 =	vadd.f32 v8, v0;
	v9 =	vsub.f32 v30, v22;
	v12 =	vld.idx.msk [tilespmem:v39+s3+$0x0], $0xffff  }
0x167: {  	v8 =	vmul.f32 v10, v10;
	v1 =	vadd.f32 v19, v1;
	v19 =	vsub.f32 v32, v24;
	v11 =	vld.idx.msk [tilespmem:v40+s3+$0x0], $0xffff  }
0x168: {  	v62 =	vsub.f32 v35, v27;
	v10 =	vld.idx.msk [tilespmem:v17+s3+$0x0], $0xffff;
	v17 =	vsub.f32 v31, v23  }
0x169: {  	v60 =	vmul.f32 v9, v9;
	v4 =	vadd.f32 v8, v4;
	v19 =	vmul.f32 v19, v19;
	v9 =	vld.idx.msk [tilespmem:v16+s3+$0x0], $0xffff  }
0x16a: {  	v16 =	vsub.f32 v33, v25;
	v8 =	vld.idx.msk [tilespmem:v15+s3+$0x0], $0xffff;
	v15 =	vmul.f32 v17, v17;
	v17 =	vsub.f32 v34, v26  }
0x16b: {  	v5 =	vadd.f32 v19, v5;
	v19 =	vmul.f32 v62, v62;
	v14 =	vsub.f32 v18, v14;
	v18 =	vld [tilespmem:s31+$0x1C710]  }
0x16c: {  	v6 =	vadd.f32 v15, v6;
	v15 =	vmul.f32 v16, v16;
	v63 =	vmul.f32 v17, v17;
	v17 =	vld [tilespmem:s31+$0x1C720]  }
0x16d: {  	v3 =	vadd.f32 v60, v3;
	v16 =	vld [tilespmem:s31+$0x1C730];
	v14 =	vmul.f32 v14, v14  }
0x16e: {  	v0 =	vadd.f32 v19, v0;
	v7 =	vadd.f32 v15, v7;
	v15 =	vld [tilespmem:s31+$0x1C740]  }
0x16f: {  	v19 =	vsub.f32 v61, v13;
	v1 =	vadd.f32 v14, v1;
	v14 =	vld [tilespmem:s31+$0x1C750]  }
0x170: {  	s30 =	simm.s32 $0x400;
	s29 =	simm.s32 $0x80;
	v13 =	vld [tilespmem:s31+$0x1C760];
	v2 =	vadd.f32 v63, v2;
	v18 =	vsub.f32 v18, v20  }
.LBB2_10:
0x171: {  	p0 =	sne.s32 s30, $0x3E00;
	v20 =	vld [tilespmem:s29+$0x18770];
	v19 =	vmul.f32 v19, v19;
	v12 =	vsub.f32 v17, v12  }
0x172: {  	v17 =	vld [tilespmem:s29+$0x18700];
	v18 =	vmul.f32 v18, v18;
	v11 =	vsub.f32 v16, v11  }
0x173: {  	v16 =	vld [tilespmem:s29+$0x18710];
	v4 =	vadd.f32 v19, v4;
	v12 =	vmul.f32 v12, v12;
	v10 =	vsub.f32 v15, v10  }
0x174: {  	v15 =	vld [tilespmem:s29+$0x18720];
	v3 =	vadd.f32 v18, v3;
	v11 =	vmul.f32 v11, v11;
	v9 =	vsub.f32 v14, v9  }
0x175: {  	v14 =	vld [tilespmem:s29+$0x18730];
	v6 =	vadd.f32 v12, v6;
	v10 =	vmul.f32 v10, v10;
	v8 =	vsub.f32 v13, v8  }
0x176: {  	v13 =	vld [tilespmem:s29+$0x18740];
	v5 =	vadd.f32 v11, v5;
	v9 =	vmul.f32 v9, v9  }
0x177: {  	v18 =	vld [tilespmem:s29+$0x18750];
	v7 =	vadd.f32 v10, v7;
	v8 =	vmul.f32 v8, v8  }
0x178: {  	v19 =	vld [tilespmem:s29+$0x18760];
	v2 =	vadd.f32 v9, v2  }
0x179: {  	v9 =	vld.idx.msk [tilespmem:v20+s3+$0x0], $0xffff;
	v0 =	vadd.f32 v8, v0  }
0x17a: {  	v8 =	vld [tilespmem:s29+$0x1C770]  }
0x17b: {  	v20 =	vld.idx.msk [tilespmem:v17+s3+$0x0], $0xffff  }
0x17c: {  	v21 =	vld.idx.msk [tilespmem:v16+s3+$0x0], $0xffff  }
0x17d: {  	v12 =	vld.idx.msk [tilespmem:v15+s3+$0x0], $0xffff  }
0x17e: {  	v11 =	vld.idx.msk [tilespmem:v14+s3+$0x0], $0xffff  }
0x17f: {  	v10 =	vld.idx.msk [tilespmem:v13+s3+$0x0], $0xffff;
	v13 =	vsub.f32 v8, v9  }
0x180: {  	v9 =	vld.idx.msk [tilespmem:v18+s3+$0x0], $0xffff  }
0x181: {  	v8 =	vld.idx.msk [tilespmem:v19+s3+$0x0], $0xffff;
	v13 =	vmul.f32 v13, v13  }
0x182: {  	v14 =	vld [tilespmem:s29+$0x1C700]  }
0x183: {  	v18 =	vld [tilespmem:s29+$0x1C710];
	v1 =	vadd.f32 v13, v1  }
.Ltmp4:
0x184: {  	v17 =	vld [tilespmem:s29+$0x1C720];
	(pc) =	sbr.rel @p0 .LBB2_10-.Ltmp4, $4  }
0x185: {  	v16 =	vld [tilespmem:s29+$0x1C730]  }
0x186: {  	v15 =	vld [tilespmem:s29+$0x1C740]  }
0x187: {  	v19 =	vsub.f32 v14, v20;
	v14 =	vld [tilespmem:s29+$0x1C750]  }
0x188: {  	v18 =	vsub.f32 v18, v21;
	v13 =	vld [tilespmem:s29+$0x1C760];
	s29 =	sshra.s32 s30, $0x2;
	s30 =	sadd.s32 $0x200, s30  }
0x189: {  	v20 =	vld [tilespmem:s29+$0x18770]  }
0x18a: {  	v21 =	vld [tilespmem:s29+$0x18700]  }
0x18b: {  	v22 =	vld [tilespmem:s29+$0x18710]  }
0x18c: {  	v23 =	vld [tilespmem:s29+$0x18720]  }
0x18d: {  	v24 =	vld [tilespmem:s29+$0x18730]  }
0x18e: {  	v25 =	vld [tilespmem:s29+$0x18740]  }
0x18f: {  	v26 =	vld [tilespmem:s29+$0x18750]  }
0x190: {  	v27 =	vld [tilespmem:s29+$0x18760]  }
0x191: {  	v28 =	vld [tilespmem:s29+$0x1C770]  }
0x192: {  	v29 =	vld [tilespmem:s29+$0x1C700]  }
0x193: {  	v30 =	vld [tilespmem:s29+$0x1C710]  }
0x194: {  	v31 =	vld [tilespmem:s29+$0x1C720]  }
0x195: {  	v32 =	vld [tilespmem:s29+$0x1C730]  }
0x196: {  	v33 =	vld [tilespmem:s29+$0x1C740]  }
0x197: {  	v34 =	vld [tilespmem:s29+$0x1C750]  }
0x198: {  	v35 =	vld [tilespmem:s29+$0x1C760]  }
0x199: {  	v20 =	vld.idx.msk [tilespmem:v20+s3+$0x0], $0xffff  }
0x19a: {  	v21 =	vld.idx.msk [tilespmem:v21+s3+$0x0], $0xffff  }
0x19b: {  	v22 =	vld.idx.msk [tilespmem:v22+s3+$0x0], $0xffff  }
0x19c: {  	v23 =	vld.idx.msk [tilespmem:v23+s3+$0x0], $0xffff  }
0x19d: {  	v24 =	vld.idx.msk [tilespmem:v24+s3+$0x0], $0xffff  }
0x19e: {  	v25 =	vld.idx.msk [tilespmem:v25+s3+$0x0], $0xffff  }
0x19f: {  	v26 =	vld.idx.msk [tilespmem:v26+s3+$0x0], $0xffff  }
0x1a0: {  	v27 =	vld.idx.msk [tilespmem:v27+s3+$0x0], $0xffff;
	[tilespmem:s19], [sflag:$0x2] =	stream.strided.gather [hbm4b:s12+s17], $0x1000, s18, s17, $0x38  }
0x1a1: {  	_ =	swait.ge [sflag:s24], $0x1000  }
0x1a2: {  	[sflag:s24] =	ssyncset.done $0x0  }
0x1a3: {  	s31 =	simm.s32 $0x40;
	[sflag:s24] =	ssyncadd.s32 $0xFFFFF000  }
0x1a4: {  	v36 =	vld [tilespmem:s31+$0x19730]  }
0x1a5: {  	v37 =	vld [tilespmem:s31+$0x196C0]  }
0x1a6: {  	v38 =	vld [tilespmem:s31+$0x196D0]  }
0x1a7: {  	v39 =	vld [tilespmem:s31+$0x196E0]  }
0x1a8: {  	v40 =	vld [tilespmem:s31+$0x196F0]  }
0x1a9: {  	v19 =	vmul.f32 v19, v19;
	v12 =	vsub.f32 v17, v12;
	v17 =	vld [tilespmem:s31+$0x19700]  }
0x1aa: {  	v18 =	vmul.f32 v18, v18;
	v11 =	vsub.f32 v16, v11;
	v16 =	vld [tilespmem:s31+$0x19710]  }
0x1ab: {  	v4 =	vadd.f32 v19, v4;
	v10 =	vsub.f32 v15, v10;
	v15 =	vld [tilespmem:s31+$0x19720]  }
0x1ac: {  	v12 =	vmul.f32 v12, v12;
	v3 =	vadd.f32 v18, v3;
	v9 =	vsub.f32 v14, v9;
	v18 =	vld [tilespmem:s31+$0x1D730]  }
0x1ad: {  	v11 =	vmul.f32 v11, v11;
	v10 =	vmul.f32 v10, v10;
	v8 =	vsub.f32 v13, v8;
	v61 =	vld [tilespmem:s31+$0x1D6C0]  }
0x1ae: {  	v6 =	vadd.f32 v12, v6;
	v9 =	vmul.f32 v9, v9;
	v12 =	vsub.f32 v28, v20;
	v14 =	vld.idx.msk [tilespmem:v36+s3+$0x0], $0xffff  }
0x1af: {  	v5 =	vadd.f32 v11, v5;
	v7 =	vadd.f32 v10, v7;
	v8 =	vmul.f32 v8, v8;
	v13 =	vld.idx.msk [tilespmem:v37+s3+$0x0], $0xffff  }
0x1b0: {  	v2 =	vadd.f32 v9, v2;
	v10 =	vsub.f32 v29, v21;
	v19 =	vmul.f32 v12, v12;
	v20 =	vld.idx.msk [tilespmem:v38+s3+$0x0], $0xffff  }
0x1b1: {  	v0 =	vadd.f32 v8, v0;
	v9 =	vsub.f32 v30, v22;
	v12 =	vld.idx.msk [tilespmem:v39+s3+$0x0], $0xffff  }
0x1b2: {  	v8 =	vmul.f32 v10, v10;
	v1 =	vadd.f32 v19, v1;
	v19 =	vsub.f32 v32, v24;
	v11 =	vld.idx.msk [tilespmem:v40+s3+$0x0], $0xffff  }
0x1b3: {  	v62 =	vsub.f32 v35, v27;
	v10 =	vld.idx.msk [tilespmem:v17+s3+$0x0], $0xffff;
	v17 =	vsub.f32 v31, v23  }
0x1b4: {  	v60 =	vmul.f32 v9, v9;
	v4 =	vadd.f32 v8, v4;
	v19 =	vmul.f32 v19, v19;
	v9 =	vld.idx.msk [tilespmem:v16+s3+$0x0], $0xffff  }
0x1b5: {  	v16 =	vsub.f32 v33, v25;
	v8 =	vld.idx.msk [tilespmem:v15+s3+$0x0], $0xffff;
	v15 =	vmul.f32 v17, v17;
	v17 =	vsub.f32 v34, v26  }
0x1b6: {  	v5 =	vadd.f32 v19, v5;
	v19 =	vmul.f32 v62, v62;
	v14 =	vsub.f32 v18, v14;
	v18 =	vld [tilespmem:s31+$0x1D6D0]  }
0x1b7: {  	v6 =	vadd.f32 v15, v6;
	v15 =	vmul.f32 v16, v16;
	v63 =	vmul.f32 v17, v17;
	v17 =	vld [tilespmem:s31+$0x1D6E0]  }
0x1b8: {  	v3 =	vadd.f32 v60, v3;
	v16 =	vld [tilespmem:s31+$0x1D6F0];
	v14 =	vmul.f32 v14, v14  }
0x1b9: {  	v0 =	vadd.f32 v19, v0;
	v7 =	vadd.f32 v15, v7;
	v15 =	vld [tilespmem:s31+$0x1D700]  }
0x1ba: {  	v19 =	vsub.f32 v61, v13;
	v1 =	vadd.f32 v14, v1;
	v14 =	vld [tilespmem:s31+$0x1D710]  }
0x1bb: {  	s29 =	simm.s32 $0xC0;
	s30 =	simm.s32 $0x500;
	v13 =	vld [tilespmem:s31+$0x1D720];
	v2 =	vadd.f32 v63, v2;
	v18 =	vsub.f32 v18, v20  }
.LBB2_12:
0x1bc: {  	p0 =	sne.s32 s30, $0x3F00;
	v20 =	vld [tilespmem:s29+$0x19730];
	v19 =	vmul.f32 v19, v19;
	v12 =	vsub.f32 v17, v12  }
0x1bd: {  	v17 =	vld [tilespmem:s29+$0x196C0];
	v18 =	vmul.f32 v18, v18;
	v11 =	vsub.f32 v16, v11  }
0x1be: {  	v16 =	vld [tilespmem:s29+$0x196D0];
	v4 =	vadd.f32 v19, v4;
	v12 =	vmul.f32 v12, v12;
	v10 =	vsub.f32 v15, v10  }
0x1bf: {  	v15 =	vld [tilespmem:s29+$0x196E0];
	v3 =	vadd.f32 v18, v3;
	v11 =	vmul.f32 v11, v11;
	v9 =	vsub.f32 v14, v9  }
0x1c0: {  	v14 =	vld [tilespmem:s29+$0x196F0];
	v6 =	vadd.f32 v12, v6;
	v10 =	vmul.f32 v10, v10;
	v8 =	vsub.f32 v13, v8  }
0x1c1: {  	v13 =	vld [tilespmem:s29+$0x19700];
	v5 =	vadd.f32 v11, v5;
	v9 =	vmul.f32 v9, v9  }
0x1c2: {  	v18 =	vld [tilespmem:s29+$0x19710];
	v7 =	vadd.f32 v10, v7;
	v8 =	vmul.f32 v8, v8  }
0x1c3: {  	v19 =	vld [tilespmem:s29+$0x19720];
	v2 =	vadd.f32 v9, v2  }
0x1c4: {  	v9 =	vld.idx.msk [tilespmem:v20+s3+$0x0], $0xffff;
	v0 =	vadd.f32 v8, v0  }
0x1c5: {  	v8 =	vld [tilespmem:s29+$0x1D730]  }
0x1c6: {  	v20 =	vld.idx.msk [tilespmem:v17+s3+$0x0], $0xffff  }
0x1c7: {  	v21 =	vld.idx.msk [tilespmem:v16+s3+$0x0], $0xffff  }
0x1c8: {  	v12 =	vld.idx.msk [tilespmem:v15+s3+$0x0], $0xffff  }
0x1c9: {  	v11 =	vld.idx.msk [tilespmem:v14+s3+$0x0], $0xffff  }
0x1ca: {  	v10 =	vld.idx.msk [tilespmem:v13+s3+$0x0], $0xffff;
	v13 =	vsub.f32 v8, v9  }
0x1cb: {  	v9 =	vld.idx.msk [tilespmem:v18+s3+$0x0], $0xffff  }
0x1cc: {  	v8 =	vld.idx.msk [tilespmem:v19+s3+$0x0], $0xffff;
	v13 =	vmul.f32 v13, v13  }
0x1cd: {  	v14 =	vld [tilespmem:s29+$0x1D6C0]  }
0x1ce: {  	v18 =	vld [tilespmem:s29+$0x1D6D0];
	v1 =	vadd.f32 v13, v1  }
.Ltmp5:
0x1cf: {  	v17 =	vld [tilespmem:s29+$0x1D6E0];
	(pc) =	sbr.rel @p0 .LBB2_12-.Ltmp5, $4  }
0x1d0: {  	v16 =	vld [tilespmem:s29+$0x1D6F0]  }
0x1d1: {  	v15 =	vld [tilespmem:s29+$0x1D700]  }
0x1d2: {  	v19 =	vsub.f32 v14, v20;
	v14 =	vld [tilespmem:s29+$0x1D710]  }
0x1d3: {  	v18 =	vsub.f32 v18, v21;
	v13 =	vld [tilespmem:s29+$0x1D720];
	s29 =	sshra.s32 s30, $0x2;
	s30 =	sadd.s32 $0x200, s30  }
0x1d4: {  	v20 =	vld [tilespmem:s29+$0x19730]  }
0x1d5: {  	v21 =	vld [tilespmem:s29+$0x196C0]  }
0x1d6: {  	v22 =	vld [tilespmem:s29+$0x196D0]  }
0x1d7: {  	v23 =	vld [tilespmem:s29+$0x196E0]  }
0x1d8: {  	v24 =	vld [tilespmem:s29+$0x196F0]  }
0x1d9: {  	v25 =	vld [tilespmem:s29+$0x19700]  }
0x1da: {  	v26 =	vld [tilespmem:s29+$0x19710]  }
0x1db: {  	v27 =	vld [tilespmem:s29+$0x19720]  }
0x1dc: {  	v28 =	vld [tilespmem:s29+$0x1D730]  }
0x1dd: {  	v29 =	vld [tilespmem:s29+$0x1D6C0]  }
0x1de: {  	v30 =	vld [tilespmem:s29+$0x1D6D0]  }
0x1df: {  	v31 =	vld [tilespmem:s29+$0x1D6E0]  }
0x1e0: {  	v32 =	vld [tilespmem:s29+$0x1D6F0]  }
0x1e1: {  	v33 =	vld [tilespmem:s29+$0x1D700]  }
0x1e2: {  	v34 =	vld [tilespmem:s29+$0x1D710]  }
0x1e3: {  	v35 =	vld [tilespmem:s29+$0x1D720]  }
0x1e4: {  	v20 =	vld.idx.msk [tilespmem:v20+s3+$0x0], $0xffff  }
0x1e5: {  	v21 =	vld.idx.msk [tilespmem:v21+s3+$0x0], $0xffff  }
0x1e6: {  	v22 =	vld.idx.msk [tilespmem:v22+s3+$0x0], $0xffff  }
0x1e7: {  	v23 =	vld.idx.msk [tilespmem:v23+s3+$0x0], $0xffff  }
0x1e8: {  	v24 =	vld.idx.msk [tilespmem:v24+s3+$0x0], $0xffff  }
0x1e9: {  	v25 =	vld.idx.msk [tilespmem:v25+s3+$0x0], $0xffff  }
0x1ea: {  	v26 =	vld.idx.msk [tilespmem:v26+s3+$0x0], $0xffff  }
0x1eb: {  	v27 =	vld.idx.msk [tilespmem:v27+s3+$0x0], $0xffff;
	[tilespmem:s20], [sflag:$0x3] =	stream.strided.gather [hbm4b:s13+s17], $0x1000, s18, s17, $0x38  }
0x1ec: {  	_ =	swait.ge [sflag:s23], $0x1000  }
0x1ed: {  	[sflag:s23] =	ssyncset.done $0x0  }
0x1ee: {  	s31 =	simm.s32 $0x0;
	[sflag:s23] =	ssyncadd.s32 $0xFFFFF000  }
0x1ef: {  	v36 =	vld [tilespmem:s31+$0x1A770]  }
0x1f0: {  	v37 =	vld [tilespmem:s31+$0x1A700]  }
0x1f1: {  	v38 =	vld [tilespmem:s31+$0x1A710]  }
0x1f2: {  	v39 =	vld [tilespmem:s31+$0x1A720]  }
0x1f3: {  	v40 =	vld [tilespmem:s31+$0x1A730]  }
0x1f4: {  	v19 =	vmul.f32 v19, v19;
	v12 =	vsub.f32 v17, v12;
	v17 =	vld [tilespmem:s31+$0x1A740]  }
0x1f5: {  	v18 =	vmul.f32 v18, v18;
	v11 =	vsub.f32 v16, v11;
	v16 =	vld [tilespmem:s31+$0x1A750]  }
0x1f6: {  	v4 =	vadd.f32 v19, v4;
	v10 =	vsub.f32 v15, v10;
	v15 =	vld [tilespmem:s31+$0x1A760]  }
0x1f7: {  	v12 =	vmul.f32 v12, v12;
	v3 =	vadd.f32 v18, v3;
	v9 =	vsub.f32 v14, v9;
	v18 =	vld [tilespmem:s31+$0x1C770]  }
0x1f8: {  	v11 =	vmul.f32 v11, v11;
	v10 =	vmul.f32 v10, v10;
	v8 =	vsub.f32 v13, v8;
	v61 =	vld [tilespmem:s31+$0x1C700]  }
0x1f9: {  	v6 =	vadd.f32 v12, v6;
	v9 =	vmul.f32 v9, v9;
	v12 =	vsub.f32 v28, v20;
	v14 =	vld.idx.msk [tilespmem:v36+s3+$0x0], $0xffff  }
0x1fa: {  	v5 =	vadd.f32 v11, v5;
	v7 =	vadd.f32 v10, v7;
	v8 =	vmul.f32 v8, v8;
	v13 =	vld.idx.msk [tilespmem:v37+s3+$0x0], $0xffff  }
0x1fb: {  	v2 =	vadd.f32 v9, v2;
	v10 =	vsub.f32 v29, v21;
	v19 =	vmul.f32 v12, v12;
	v20 =	vld.idx.msk [tilespmem:v38+s3+$0x0], $0xffff  }
0x1fc: {  	v0 =	vadd.f32 v8, v0;
	v9 =	vsub.f32 v30, v22;
	v12 =	vld.idx.msk [tilespmem:v39+s3+$0x0], $0xffff  }
0x1fd: {  	v8 =	vmul.f32 v10, v10;
	v1 =	vadd.f32 v19, v1;
	v19 =	vsub.f32 v32, v24;
	v11 =	vld.idx.msk [tilespmem:v40+s3+$0x0], $0xffff  }
0x1fe: {  	v62 =	vsub.f32 v35, v27;
	v10 =	vld.idx.msk [tilespmem:v17+s3+$0x0], $0xffff;
	v17 =	vsub.f32 v31, v23  }
0x1ff: {  	v60 =	vmul.f32 v9, v9;
	v4 =	vadd.f32 v8, v4;
	v19 =	vmul.f32 v19, v19;
	v9 =	vld.idx.msk [tilespmem:v16+s3+$0x0], $0xffff  }
0x200: {  	v16 =	vsub.f32 v33, v25;
	v8 =	vld.idx.msk [tilespmem:v15+s3+$0x0], $0xffff;
	v15 =	vmul.f32 v17, v17;
	v17 =	vsub.f32 v34, v26  }
0x201: {  	v5 =	vadd.f32 v19, v5;
	v19 =	vmul.f32 v62, v62;
	v14 =	vsub.f32 v18, v14;
	v18 =	vld [tilespmem:s31+$0x1C710]  }
0x202: {  	v6 =	vadd.f32 v15, v6;
	v15 =	vmul.f32 v16, v16;
	v63 =	vmul.f32 v17, v17;
	v17 =	vld [tilespmem:s31+$0x1C720]  }
0x203: {  	v3 =	vadd.f32 v60, v3;
	v16 =	vld [tilespmem:s31+$0x1C730];
	v14 =	vmul.f32 v14, v14  }
0x204: {  	v0 =	vadd.f32 v19, v0;
	v7 =	vadd.f32 v15, v7;
	v15 =	vld [tilespmem:s31+$0x1C740]  }
0x205: {  	v19 =	vsub.f32 v61, v13;
	v1 =	vadd.f32 v14, v1;
	v14 =	vld [tilespmem:s31+$0x1C750]  }
0x206: {  	s29 =	simm.s32 $0x80;
	s30 =	simm.s32 $0x400;
	v13 =	vld [tilespmem:s31+$0x1C760];
	v2 =	vadd.f32 v63, v2;
	v18 =	vsub.f32 v18, v20  }
.LBB2_14:
0x207: {  	p0 =	sne.s32 s30, $0x3E00;
	v20 =	vld [tilespmem:s29+$0x1A770];
	v19 =	vmul.f32 v19, v19;
	v12 =	vsub.f32 v17, v12  }
0x208: {  	v17 =	vld [tilespmem:s29+$0x1A700];
	v18 =	vmul.f32 v18, v18;
	v11 =	vsub.f32 v16, v11  }
0x209: {  	v16 =	vld [tilespmem:s29+$0x1A710];
	v4 =	vadd.f32 v19, v4;
	v12 =	vmul.f32 v12, v12;
	v10 =	vsub.f32 v15, v10  }
0x20a: {  	v15 =	vld [tilespmem:s29+$0x1A720];
	v3 =	vadd.f32 v18, v3;
	v11 =	vmul.f32 v11, v11;
	v9 =	vsub.f32 v14, v9  }
0x20b: {  	v14 =	vld [tilespmem:s29+$0x1A730];
	v6 =	vadd.f32 v12, v6;
	v10 =	vmul.f32 v10, v10;
	v8 =	vsub.f32 v13, v8  }
0x20c: {  	v13 =	vld [tilespmem:s29+$0x1A740];
	v5 =	vadd.f32 v11, v5;
	v9 =	vmul.f32 v9, v9  }
0x20d: {  	v18 =	vld [tilespmem:s29+$0x1A750];
	v7 =	vadd.f32 v10, v7;
	v8 =	vmul.f32 v8, v8  }
0x20e: {  	v19 =	vld [tilespmem:s29+$0x1A760];
	v2 =	vadd.f32 v9, v2  }
0x20f: {  	v9 =	vld.idx.msk [tilespmem:v20+s3+$0x0], $0xffff;
	v0 =	vadd.f32 v8, v0  }
0x210: {  	v8 =	vld [tilespmem:s29+$0x1C770]  }
0x211: {  	v20 =	vld.idx.msk [tilespmem:v17+s3+$0x0], $0xffff  }
0x212: {  	v21 =	vld.idx.msk [tilespmem:v16+s3+$0x0], $0xffff  }
0x213: {  	v12 =	vld.idx.msk [tilespmem:v15+s3+$0x0], $0xffff  }
0x214: {  	v11 =	vld.idx.msk [tilespmem:v14+s3+$0x0], $0xffff  }
0x215: {  	v10 =	vld.idx.msk [tilespmem:v13+s3+$0x0], $0xffff;
	v13 =	vsub.f32 v8, v9  }
0x216: {  	v9 =	vld.idx.msk [tilespmem:v18+s3+$0x0], $0xffff  }
0x217: {  	v8 =	vld.idx.msk [tilespmem:v19+s3+$0x0], $0xffff;
	v13 =	vmul.f32 v13, v13  }
0x218: {  	v14 =	vld [tilespmem:s29+$0x1C700]  }
0x219: {  	v18 =	vld [tilespmem:s29+$0x1C710];
	v1 =	vadd.f32 v13, v1  }
.Ltmp6:
0x21a: {  	v17 =	vld [tilespmem:s29+$0x1C720];
	(pc) =	sbr.rel @p0 .LBB2_14-.Ltmp6, $4  }
0x21b: {  	v16 =	vld [tilespmem:s29+$0x1C730]  }
0x21c: {  	v15 =	vld [tilespmem:s29+$0x1C740]  }
0x21d: {  	v19 =	vsub.f32 v14, v20;
	v14 =	vld [tilespmem:s29+$0x1C750]  }
0x21e: {  	v18 =	vsub.f32 v18, v21;
	v13 =	vld [tilespmem:s29+$0x1C760];
	s29 =	sshra.s32 s30, $0x2;
	s30 =	sadd.s32 $0x200, s30  }
0x21f: {  	v20 =	vld [tilespmem:s29+$0x1A770]  }
0x220: {  	v21 =	vld [tilespmem:s29+$0x1A700]  }
0x221: {  	v22 =	vld [tilespmem:s29+$0x1A710]  }
0x222: {  	v23 =	vld [tilespmem:s29+$0x1A720]  }
0x223: {  	v24 =	vld [tilespmem:s29+$0x1A730]  }
0x224: {  	v25 =	vld [tilespmem:s29+$0x1A740]  }
0x225: {  	v26 =	vld [tilespmem:s29+$0x1A750]  }
0x226: {  	v27 =	vld [tilespmem:s29+$0x1A760]  }
0x227: {  	v28 =	vld [tilespmem:s29+$0x1C770]  }
0x228: {  	v29 =	vld [tilespmem:s29+$0x1C700]  }
0x229: {  	v30 =	vld [tilespmem:s29+$0x1C710]  }
0x22a: {  	v31 =	vld [tilespmem:s29+$0x1C720]  }
0x22b: {  	v32 =	vld [tilespmem:s29+$0x1C730]  }
0x22c: {  	v33 =	vld [tilespmem:s29+$0x1C740]  }
0x22d: {  	v34 =	vld [tilespmem:s29+$0x1C750]  }
0x22e: {  	v35 =	vld [tilespmem:s29+$0x1C760]  }
0x22f: {  	v20 =	vld.idx.msk [tilespmem:v20+s3+$0x0], $0xffff  }
0x230: {  	v21 =	vld.idx.msk [tilespmem:v21+s3+$0x0], $0xffff  }
0x231: {  	v22 =	vld.idx.msk [tilespmem:v22+s3+$0x0], $0xffff  }
0x232: {  	v23 =	vld.idx.msk [tilespmem:v23+s3+$0x0], $0xffff  }
0x233: {  	v24 =	vld.idx.msk [tilespmem:v24+s3+$0x0], $0xffff  }
0x234: {  	v25 =	vld.idx.msk [tilespmem:v25+s3+$0x0], $0xffff  }
0x235: {  	v26 =	vld.idx.msk [tilespmem:v26+s3+$0x0], $0xffff  }
0x236: {  	v27 =	vld.idx.msk [tilespmem:v27+s3+$0x0], $0xffff;
	_ =	swait.ge [sflag:s24], $0x1000  }
0x237: {  	[sflag:s24] =	ssyncset.done $0x0  }
0x238: {  	s31 =	simm.s32 $0x0;
	[sflag:s24] =	ssyncadd.s32 $0xFFFFF000  }
0x239: {  	v36 =	vld [tilespmem:s31+$0x1B770]  }
0x23a: {  	v37 =	vld [tilespmem:s31+$0x1B700]  }
0x23b: {  	v38 =	vld [tilespmem:s31+$0x1B710]  }
0x23c: {  	v39 =	vld [tilespmem:s31+$0x1B720]  }
0x23d: {  	v40 =	vld [tilespmem:s31+$0x1B730]  }
0x23e: {  	v19 =	vmul.f32 v19, v19;
	v12 =	vsub.f32 v17, v12;
	v17 =	vld [tilespmem:s31+$0x1B740]  }
0x23f: {  	v18 =	vmul.f32 v18, v18;
	v11 =	vsub.f32 v16, v11;
	v16 =	vld [tilespmem:s31+$0x1B750]  }
0x240: {  	v4 =	vadd.f32 v19, v4;
	v12 =	vmul.f32 v12, v12;
	v10 =	vsub.f32 v15, v10;
	v15 =	vld [tilespmem:s31+$0x1B760]  }
0x241: {  	v3 =	vadd.f32 v18, v3;
	v9 =	vsub.f32 v14, v9;
	v19 =	vld [tilespmem:s31+$0x1D770]  }
0x242: {  	v11 =	vmul.f32 v11, v11;
	v18 =	vadd.f32 v12, v6;
	v6 =	vmul.f32 v10, v10;
	v62 =	vld [tilespmem:s31+$0x1D700]  }
0x243: {  	v8 =	vsub.f32 v13, v8;
	v63 =	vld [tilespmem:s31+$0x1D710];
	v10 =	vsub.f32 v28, v20  }
0x244: {  	v59 =	vadd.f32 v6, v7;
	v20 =	vadd.f32 v11, v5;
	v5 =	vmul.f32 v9, v9;
	v14 =	vld.idx.msk [tilespmem:v36+s3+$0x0], $0xffff  }
0x245: {  	v7 =	vmul.f32 v8, v8;
	v6 =	vsub.f32 v29, v21;
	v8 =	vmul.f32 v10, v10;
	v13 =	vld.idx.msk [tilespmem:v37+s3+$0x0], $0xffff  }
0x246: {  	v2 =	vadd.f32 v5, v2;
	v5 =	vsub.f32 v30, v22;
	v60 =	vld.idx.msk [tilespmem:v38+s3+$0x0], $0xffff  }
0x247: {  	v0 =	vadd.f32 v7, v0;
	v61 =	vadd.f32 v8, v1;
	v1 =	vmul.f32 v6, v6;
	v12 =	vld.idx.msk [tilespmem:v39+s3+$0x0], $0xffff  }
0x248: {  	v7 =	vsub.f32 v31, v23;
	v6 =	vmul.f32 v5, v5;
	v10 =	vld.idx.msk [tilespmem:v17+s3+$0x0], $0xffff;
	v17 =	vsub.f32 v32, v24  }
0x249: {  	v11 =	vld.idx.msk [tilespmem:v40+s3+$0x0], $0xffff;
	v5 =	vadd.f32 v1, v4;
	v1 =	vsub.f32 v33, v25  }
0x24a: {  	v8 =	vld.idx.msk [tilespmem:v15+s3+$0x0], $0xffff;
	v6 =	vadd.f32 v6, v3;
	v3 =	vmul.f32 v7, v7;
	v15 =	vsub.f32 v35, v27  }
0x24b: {  	v9 =	vld.idx.msk [tilespmem:v16+s3+$0x0], $0xffff;
	v4 =	vsub.f32 v34, v26;
	v16 =	vmul.f32 v17, v17;
	v14 =	vsub.f32 v19, v14  }
0x24c: {  	v7 =	vadd.f32 v3, v18;
	v1 =	vmul.f32 v1, v1;
	v17 =	vld [tilespmem:s31+$0x1D720];
	v19 =	vmul.f32 v15, v15  }
0x24d: {  	v18 =	vmul.f32 v4, v4;
	v4 =	vadd.f32 v16, v20;
	v16 =	vld [tilespmem:s31+$0x1D730];
	v14 =	vmul.f32 v14, v14  }
0x24e: {  	v3 =	vadd.f32 v1, v59;
	v15 =	vld [tilespmem:s31+$0x1D740];
	v1 =	vadd.f32 v19, v0  }
0x24f: {  	v19 =	vsub.f32 v62, v13;
	v0 =	vadd.f32 v14, v61;
	v14 =	vld [tilespmem:s31+$0x1D750]  }
0x250: {  	s29 =	simm.s32 $0x80;
	s30 =	simm.s32 $0x400;
	v2 =	vadd.f32 v18, v2;
	v18 =	vsub.f32 v63, v60;
	v13 =	vld [tilespmem:s31+$0x1D760]  }
.LBB2_16:
0x251: {  	p0 =	sne.s32 s30, $0x3E00;
	v20 =	vld [tilespmem:s29+$0x1B770];
	v19 =	vmul.f32 v19, v19;
	v12 =	vsub.f32 v17, v12  }
0x252: {  	v17 =	vld [tilespmem:s29+$0x1B700];
	v18 =	vmul.f32 v18, v18;
	v11 =	vsub.f32 v16, v11  }
0x253: {  	v16 =	vld [tilespmem:s29+$0x1B710];
	v5 =	vadd.f32 v19, v5;
	v12 =	vmul.f32 v12, v12;
	v10 =	vsub.f32 v15, v10  }
0x254: {  	v15 =	vld [tilespmem:s29+$0x1B720];
	v6 =	vadd.f32 v18, v6;
	v11 =	vmul.f32 v11, v11;
	v9 =	vsub.f32 v14, v9  }
0x255: {  	v14 =	vld [tilespmem:s29+$0x1B730];
	v7 =	vadd.f32 v12, v7;
	v10 =	vmul.f32 v10, v10;
	v8 =	vsub.f32 v13, v8  }
0x256: {  	v13 =	vld [tilespmem:s29+$0x1B740];
	v4 =	vadd.f32 v11, v4;
	v9 =	vmul.f32 v9, v9  }
0x257: {  	v18 =	vld [tilespmem:s29+$0x1B750];
	v3 =	vadd.f32 v10, v3;
	v8 =	vmul.f32 v8, v8  }
0x258: {  	v19 =	vld [tilespmem:s29+$0x1B760];
	v2 =	vadd.f32 v9, v2  }
0x259: {  	v9 =	vld.idx.msk [tilespmem:v20+s3+$0x0], $0xffff;
	v1 =	vadd.f32 v8, v1  }
0x25a: {  	v8 =	vld [tilespmem:s29+$0x1D770]  }
0x25b: {  	v20 =	vld.idx.msk [tilespmem:v17+s3+$0x0], $0xffff  }
0x25c: {  	v21 =	vld.idx.msk [tilespmem:v16+s3+$0x0], $0xffff  }
0x25d: {  	v12 =	vld.idx.msk [tilespmem:v15+s3+$0x0], $0xffff  }
0x25e: {  	v11 =	vld.idx.msk [tilespmem:v14+s3+$0x0], $0xffff  }
0x25f: {  	v10 =	vld.idx.msk [tilespmem:v13+s3+$0x0], $0xffff;
	v13 =	vsub.f32 v8, v9  }
0x260: {  	v9 =	vld.idx.msk [tilespmem:v18+s3+$0x0], $0xffff  }
0x261: {  	v8 =	vld.idx.msk [tilespmem:v19+s3+$0x0], $0xffff;
	v13 =	vmul.f32 v13, v13  }
0x262: {  	v14 =	vld [tilespmem:s29+$0x1D700]  }
0x263: {  	v18 =	vld [tilespmem:s29+$0x1D710];
	v0 =	vadd.f32 v13, v0  }
.Ltmp7:
0x264: {  	v17 =	vld [tilespmem:s29+$0x1D720];
	(pc) =	sbr.rel @p0 .LBB2_16-.Ltmp7, $4  }
0x265: {  	v16 =	vld [tilespmem:s29+$0x1D730]  }
0x266: {  	v15 =	vld [tilespmem:s29+$0x1D740]  }
0x267: {  	v19 =	vsub.f32 v14, v20;
	v14 =	vld [tilespmem:s29+$0x1D750]  }
0x268: {  	v18 =	vsub.f32 v18, v21;
	v13 =	vld [tilespmem:s29+$0x1D760];
	s29 =	sshra.s32 s30, $0x2;
	s30 =	sadd.s32 $0x200, s30  }
0x269: {  	v20 =	vld [tilespmem:s29+$0x1B700]  }
0x26a: {  	v21 =	vld [tilespmem:s29+$0x1B710]  }
0x26b: {  	v22 =	vld [tilespmem:s29+$0x1B720]  }
0x26c: {  	v23 =	vld [tilespmem:s29+$0x1B770]  }
0x26d: {  	v24 =	vld [tilespmem:s29+$0x1B730]  }
0x26e: {  	v25 =	vld [tilespmem:s29+$0x1B740]  }
0x26f: {  	v26 =	vld [tilespmem:s29+$0x1B750]  }
0x270: {  	v27 =	vld [tilespmem:s29+$0x1B760]  }
0x271: {  	v28 =	vld [tilespmem:s29+$0x1D700]  }
0x272: {  	v29 =	vld [tilespmem:s29+$0x1D710]  }
0x273: {  	v42 =	vld [tilespmem:s29+$0x1D720]  }
0x274: {  	v20 =	vld.idx.msk [tilespmem:v20+s3+$0x0], $0xffff  }
0x275: {  	v21 =	vld.idx.msk [tilespmem:v21+s3+$0x0], $0xffff  }
0x276: {  	v19 =	vmul.f32 v19, v19;
	v43 =	vld [tilespmem:s29+$0x1D730]  }
0x277: {  	v12 =	vsub.f32 v17, v12;
	v41 =	vmul.f32 v18, v18;
	v22 =	vld.idx.msk [tilespmem:v22+s3+$0x0], $0xffff  }
0x278: {  	v11 =	vsub.f32 v16, v11;
	v5 =	vadd.f32 v19, v5;
	v24 =	vld.idx.msk [tilespmem:v24+s3+$0x0], $0xffff  }
0x279: {  	v47 =	vld [tilespmem:s29+$0x1D740];
	v10 =	vsub.f32 v15, v10;
	v12 =	vmul.f32 v12, v12;
	v6 =	vadd.f32 v41, v6  }
0x27a: {  	v44 =	vld.idx.msk [tilespmem:v25+s3+$0x0], $0xffff;
	v45 =	vsub.f32 v28, v20;
	v46 =	vsub.f32 v29, v21  }
0x27b: {  	v50 =	vld [tilespmem:s29+$0x1D750];
	v9 =	vsub.f32 v14, v9;
	v7 =	vadd.f32 v12, v7  }
0x27c: {  	v48 =	vld.idx.msk [tilespmem:v26+s3+$0x0], $0xffff;
	v49 =	vsub.f32 v42, v22;
	v17 =	vmul.f32 v45, v45;
	v19 =	vmul.f32 v46, v46  }
0x27d: {  	v53 =	vld [tilespmem:s29+$0x1D760];
	v11 =	vmul.f32 v11, v11;
	v8 =	vsub.f32 v13, v8;
	v51 =	vsub.f32 v43, v24  }
0x27e: {  	v52 =	vld.idx.msk [tilespmem:v27+s3+$0x0], $0xffff;
	v14 =	vmul.f32 v49, v49;
	v5 =	vadd.f32 v17, v5;
	v6 =	vadd.f32 v19, v6  }
0x27f: {  	v55 =	vld [tilespmem:s29+$0x1D770];
	v10 =	vmul.f32 v10, v10;
	v4 =	vadd.f32 v11, v4;
	v15 =	vsub.f32 v47, v44  }
0x280: {  	v54 =	vld.idx.msk [tilespmem:v23+s3+$0x0], $0xffff;
	v13 =	vmul.f32 v51, v51;
	v7 =	vadd.f32 v14, v7;
	v5 =	vadd.f32 v6, v5  }
0x281: {  	v56 =	vmul.f32 v9, v9;
	v3 =	vadd.f32 v10, v3;
	v57 =	vsub.f32 v50, v48  }
0x282: {  	v58 =	vmul.f32 v15, v15;
	v4 =	vadd.f32 v13, v4;
	v5 =	vadd.f32 v7, v5  }
0x283: {  	v59 =	vmul.f32 v8, v8;
	v2 =	vadd.f32 v56, v2;
	v60 =	vsub.f32 v53, v52  }
0x284: {  	v61 =	vmul.f32 v57, v57;
	v3 =	vadd.f32 v58, v3;
	v4 =	vadd.f32 v4, v5  }
0x285: {  	v1 =	vadd.f32 v59, v1;
	v62 =	vsub.f32 v55, v54  }
0x286: {  	v2 =	vadd.f32 v61, v2;
	v6 =	vmul.f32 v60, v60;
	v3 =	vadd.f32 v3, v4;
	_ =	sdelay $0x1  }
0x287: {  	v63 =	vmul.f32 v62, v62;
	v1 =	vadd.f32 v6, v1;
	v2 =	vadd.f32 v2, v3;
	_ =	sdelay $0x1  }
0x288: {  	v0 =	vadd.f32 v63, v0;
	v1 =	vadd.f32 v1, v2;
	_ =	sdelay $0x1  }
0x289: {  	s28 =	sadd.s32 $0x1, s28;
	v0 =	vadd.f32 v0, v1  }
0x28a: {  	p0 =	sne.s32 s28, s15  }
.Ltmp8:
0x28b: {  	[tilespmem:$0x1E700] =	vst v0;
	(pc) =	sbr.rel @p0 .LBB2_1-.Ltmp8, $4  }
0x28c: {  	[hbm4b:s14+s3] =	stream.linear.scatter [tilespmem:s25], [sflag:$0x5], $0x80, $0x38;
	[tilespmem:$0x1E780] =	vst v63  }
0x28d: {  	_ =	swait.ge [sflag:s26], $0x80  }
0x28e: {  	[sflag:s26] =	ssyncset.done $0x0  }
0x28f: {  	[sflag:s26] =	ssyncadd.s32 $0xFFFFFF80  }
0x290: {  	_ =	sfence.sel $0x180000  }
0x291: {  	[bflag:$0x0] =	sbarrier.arrive $0xFFFF  }
0x292: {  	p0 =	sne.s32 s2, $0x0;
	_ =	strace $0x90000047  }
0x293: {  	s0 =	sadd.s32 @!p0 $0x100000, s0;
	[bflag:$0x2] =	sbarrier.arrive $0xFFFF  }
0x294: {  	[sflag:s0] =	ssyncadd.tile.s32 @!p0 $0x1;
	_ =	shalt  }
.Lfunc_end2:
_tile_overlayer_lowered:
.L_overlay_start_2:
0x295: {  	(tag) =	ssettag $0x2  }
0x296: {  	s0 =	rddreg [dreg:$0x0];
	s2 =	stileid.u32  }
0x297: {  	s1 =	rddreg [dreg:$0x1];
	p0 =	sne.s32 s2, $0x0  }
0x298: {  	s3 =	rddreg [dreg:$0x2];
	[bflag:$0x3] =	sbarrier.arrive $0xFFFF;
	s2 =	simm.s32 @!p0 $0x1C05  }
0x299: {  	[timem:s3], [sflag:s2] =	dma.local @!p0 [hbm:s0], s1  }
0x29a: {  	s0 =	simm.s32 @!p0 $0x5  }
0x29b: {  	_ =	swait.ge @!p0 [sflag:s0], s1  }
0x29c: {  	s1 =	ssub.s32 @!p0 $0x0, s1;
	[sflag:s0] =	ssyncset.done @!p0 $0x0  }
0x29d: {  	[sflag:s0] =	ssyncadd.s32 @!p0 s1  }
0x29e: {  	[bflag:$0x3] =	sbarrier.arrive $0xFFFF  }
0x29f: {  	_ =	shalt  }

</sc_bundles>
